<compile_context>
chip_gen: v7x
topology: tpu7x:2x2x1
jax: 0.10.2.dev20260603
libtpu: 0.0.44.dev20260713+nightly
codegen_flags: <defaults>
</compile_context>

<pallas_src>
import functools

import jax
import jax.numpy as jnp
from jax import lax
from jax.experimental import pallas as pl
from jax.experimental.pallas import tpu as pltpu
from jax.experimental.pallas import tpu_sc as plsc

NC = 2
NS = 16
NW = NC * NS
L = 16

D = 64
SEQ = 200
TOTAL_ROWS = 4096 * 200
ROWS_PER_W = TOTAL_ROWS // NW
CHUNK = 400
N_CHUNKS = ROWS_PER_W // CHUNK
IDX_MINOR = 100
IPC = CHUNK // IDX_MINOR
NBUF = 3
ROW_UNROLL = 4


def _body(idx_hbm, table_hbm, pos_hbm, out_hbm,
          pos_v, idx_v, rows_v, idx_sem, gat_sem, out_sem):
    c = lax.axis_index("c")
    s = lax.axis_index("s")
    wid = s * NC + c
    chunk0 = wid * N_CHUNKS

    pltpu.sync_copy(pos_hbm, pos_v)

    def load_idx(j, b):
        pltpu.sync_copy(idx_hbm.at[pl.ds((chunk0 + j) * IPC, IPC)],
                        idx_v.at[b])

    def start_gathers(b):
        for q in range(IPC):
            pltpu.async_copy(table_hbm.at[idx_v.at[b, q]],
                             rows_v.at[b, pl.ds(q * IDX_MINOR, IDX_MINOR)],
                             gat_sem.at[b])

    def wait_gathers(b):
        for q in range(IPC):
            pltpu.make_async_copy(table_hbm.at[pl.ds(0, IDX_MINOR)],
                                  rows_v.at[b, pl.ds(q * IDX_MINOR, IDX_MINOR)],
                                  gat_sem.at[b]).wait()

    def start_scatter(j, b):
        pltpu.async_copy(rows_v.at[b],
                         out_hbm.at[pl.ds((chunk0 + j) * CHUNK, CHUNK)],
                         out_sem.at[b])

    def wait_scatter(b):
        pltpu.make_async_copy(rows_v.at[b], out_hbm.at[pl.ds(0, CHUNK)],
                              out_sem.at[b]).wait()

    def add_pos(b):
        def add_rows(r4, carry):
            r0 = r4 * ROW_UNROLL
            for rr in range(ROW_UNROLL):
                r = r0 + rr
                for dd in range(D // L):
                    sl = pl.ds(dd * L, L)
                    pv = pos_v[r, sl]
                    for rep in range(CHUNK // SEQ):
                        plsc.addupdate(rows_v.at[b, rep * SEQ + r, sl], pv)
            return carry
        lax.fori_loop(0, SEQ // ROW_UNROLL, add_rows, 0, unroll=2)

    load_idx(0, 0)
    start_gathers(0)

    def step(i, carry):
        b = i % NBUF
        nb = (i + 1) % NBUF

        @pl.when(i + 1 < N_CHUNKS)
        def _():
            load_idx(i + 1, nb)

            @pl.when(i + 1 >= NBUF)
            def _():
                wait_scatter(nb)

            start_gathers(nb)

        wait_gathers(b)
        add_pos(b)
        start_scatter(i, b)
        return carry

    lax.fori_loop(0, N_CHUNKS, step, 0)

    for t in range(NBUF):
        wait_scatter((N_CHUNKS - NBUF + t) % NBUF)


@jax.jit
def _run(idx_flat, token_table, pos_table):
    mesh = plsc.VectorSubcoreMesh(core_axis_name="c", subcore_axis_name="s",
                                  num_cores=NC, num_subcores=NS)
    return pl.kernel(
        _body,
        out_type=jax.ShapeDtypeStruct((TOTAL_ROWS, D), jnp.float32),
        mesh=mesh,
        scratch_types=[
            pltpu.VMEM((SEQ, D), jnp.float32),
            pltpu.VMEM((NBUF, IPC, IDX_MINOR), jnp.int32),
            pltpu.VMEM((NBUF, CHUNK, D), jnp.float32),
            pltpu.SemaphoreType.DMA((NBUF,)),
            pltpu.SemaphoreType.DMA((NBUF,)),
            pltpu.SemaphoreType.DMA((NBUF,)),
        ],
        compiler_params=pltpu.CompilerParams(use_tc_tiling_on_sc=False),
    )(idx_flat, token_table, pos_table)


def kernel(x, token_table, pos_table):
    b, seq = x.shape
    idx_flat = x.reshape(b * seq // IDX_MINOR, IDX_MINOR).astype(jnp.int32)
    out = _run(idx_flat, token_table, pos_table)
    return out.reshape(b, seq, D)

# --- scband reference (transcript-rebuilt; emitter-appended) ---
"""Pipeline reference for scband-embedding-with-positional-encoding-68702296866853 (READ-ONLY COPY).

The authoritative reference and input builder live on the scoring server;
editing this copy changes nothing except your own understanding.
"""

import jax, jax.numpy as jnp
import numpy as np

VOCAB = 1000000
D_MODEL = 64
MAX_SEQ = 200
BATCH = 4096
SEQ = 200

def setup_inputs(seed: int = 0) -> dict:
    key = jax.random.key(seed)
    k1, k2, k3 = jax.random.split(key, 3)
    x = jax.random.randint(k1, (BATCH, SEQ), 0, VOCAB, dtype=jnp.int64 if jax.config.jax_enable_x64 else jnp.int32)
    token_table = jax.random.normal(k2, (VOCAB, D_MODEL), dtype=jnp.float32) * 0.02
    pos_table = jax.random.normal(k3, (MAX_SEQ, D_MODEL), dtype=jnp.float32) * 0.02
    return {"x": x, "token_table": token_table, "pos_table": pos_table}

def reference(x, token_table, pos_table):
    seq_len = x.shape[1]
    pos = jnp.arange(seq_len)[None, :]  # [1, S]
    pos_emb = jnp.take(pos_table, pos, axis=0)     # [1, S, D]
    token_emb = jnp.take(token_table, x, axis=0)   # [B, S, D]
    # dropout=0.0 / eval mode -> identity
    return token_emb + pos_emb

if __name__ == "__main__":
    import jax
    _d = setup_inputs()
    print(jax.jit(kernel)(*tuple(_d.values())))

</pallas_src>

<mosaic_0001>
#map = affine_map<(d0, d1) -> (0, 0)>
module attributes {stable_mosaic.version = 14 : i64} {
  func.func @_body(%arg0: i32, %arg1: i32, %arg2: memref<8192x100xi32, #tpu.memory_space<hbm>>, %arg3: memref<1000000x64xf32, #tpu.memory_space<hbm>>, %arg4: memref<200x64xf32, #tpu.memory_space<hbm>>, %arg5: memref<819200x64xf32, #tpu.memory_space<hbm>>, %arg6: memref<200x64xf32, #tpu.memory_space<vmem>>, %arg7: memref<3x4x100xi32, #tpu.memory_space<vmem>>, %arg8: memref<3x400x64xf32, #tpu.memory_space<vmem>>, %arg9: memref<3x!tpu.dma_semaphore, #tpu.memory_space<semaphore_mem>>, %arg10: memref<3x!tpu.dma_semaphore, #tpu.memory_space<semaphore_mem>>, %arg11: memref<3x!tpu.dma_semaphore, #tpu.memory_space<semaphore_mem>>) attributes {dimension_semantics = [#tpu.dimension_semantics<core_parallel>, #tpu.dimension_semantics<subcore_parallel>], iteration_bounds = array<i64: 2, 16>, scalar_prefetch = 0 : i64, scratch_operands = 6 : i64, tpu.core_type = #tpu.core_type<sc_vector_subcore>, window_params = [{transform_indices = #map}, {transform_indices = #map}, {transform_indices = #map}, {transform_indices = #map}]} {
    %mul3A = arith.constant 2 : i32
    %mul3A_0 = arith.muli %arg1, %mul3A : i32
    %add3A = arith.addi %mul3A_0, %arg0 : i32
    %mul3A_1 = arith.constant 64 : i32
    %mul3A_2 = arith.muli %add3A, %mul3A_1 : i32
    "tpu.region"() ({
      %run_scoped3A_128 = tpu.sem_alloc : memref<!tpu.dma_semaphore, #tpu.memory_space<semaphore_mem>>
      tpu.enqueue_dma source(%arg4 : memref<200x64xf32, #tpu.memory_space<hbm>>) target(%arg6 : memref<200x64xf32, #tpu.memory_space<vmem>>) target_semaphore(%run_scoped3A_128 : memref<!tpu.dma_semaphore, #tpu.memory_space<semaphore_mem>>)
      tpu.wait_dma2 semaphore(%run_scoped3A_128 : memref<!tpu.dma_semaphore, #tpu.memory_space<semaphore_mem>>) src(%arg4 : memref<200x64xf32, #tpu.memory_space<hbm>>) dst(%arg6 : memref<200x64xf32, #tpu.memory_space<vmem>>)
      tpu.yield
    }) : () -> ()
    %add3A_3 = arith.constant 0 : i32
    %add3A_4 = arith.addi %mul3A_2, %add3A_3 : i32
    %mul3A_5 = arith.constant 4 : i32
    %mul3A_6 = arith.muli %add3A_4, %mul3A_5 : i32
    %run_scoped3A = arith.constant 0 : i32
    "tpu.region"() ({
      %run_scoped3A_128 = tpu.sem_alloc : memref<!tpu.dma_semaphore, #tpu.memory_space<semaphore_mem>>
      %dma_start3A_129 = arith.constant 0 : i32
      %dma_start3A_130 = arith.constant 0 : i32
      %dma_start3A_131 = tpu.memref_slice %arg7[%run_scoped3A, %dma_start3A_129, %dma_start3A_130] : memref<3x4x100xi32, #tpu.memory_space<vmem>> -> memref<1x4x100xi32, #tpu.memory_space<vmem>>
      %dma_start3A_132 = tpu.memref_squeeze %dma_start3A_131 : memref<1x4x100xi32, #tpu.memory_space<vmem>> -> memref<4x100xi32, #tpu.memory_space<vmem>>
      %dma_start3A_133 = arith.constant 0 : i32
      %dma_start3A_134 = tpu.memref_slice %arg2[%mul3A_6, %dma_start3A_133] : memref<8192x100xi32, #tpu.memory_space<hbm>> -> memref<4x100xi32, #tpu.memory_space<hbm>>
      %dma_start3A_135 = arith.constant 0 : i32
      %dma_start3A_136 = arith.constant 0 : i32
      %dma_start3A_137 = tpu.memref_slice %arg7[%run_scoped3A, %dma_start3A_135, %dma_start3A_136] : memref<3x4x100xi32, #tpu.memory_space<vmem>> -> memref<1x4x100xi32, #tpu.memory_space<vmem>>
      %dma_start3A_138 = tpu.memref_squeeze %dma_start3A_137 : memref<1x4x100xi32, #tpu.memory_space<vmem>> -> memref<4x100xi32, #tpu.memory_space<vmem>>
      %dma_start3A_139 = arith.constant 0 : i32
      %dma_start3A_140 = tpu.memref_slice %arg2[%mul3A_6, %dma_start3A_139] : memref<8192x100xi32, #tpu.memory_space<hbm>> -> memref<4x100xi32, #tpu.memory_space<hbm>>
      tpu.enqueue_dma source(%dma_start3A_140 : memref<4x100xi32, #tpu.memory_space<hbm>>) target(%dma_start3A_138 : memref<4x100xi32, #tpu.memory_space<vmem>>) target_semaphore(%run_scoped3A_128 : memref<!tpu.dma_semaphore, #tpu.memory_space<semaphore_mem>>)
      %dma_wait3A_141 = arith.constant 0 : i32
      %dma_wait3A_142 = arith.constant 0 : i32
      %dma_wait3A_143 = tpu.memref_slice %arg7[%run_scoped3A, %dma_wait3A_141, %dma_wait3A_142] : memref<3x4x100xi32, #tpu.memory_space<vmem>> -> memref<1x4x100xi32, #tpu.memory_space<vmem>>
      %dma_wait3A_144 = tpu.memref_squeeze %dma_wait3A_143 : memref<1x4x100xi32, #tpu.memory_space<vmem>> -> memref<4x100xi32, #tpu.memory_space<vmem>>
      %dma_wait3A_145 = arith.constant 0 : i32
      %dma_wait3A_146 = tpu.memref_slice %arg2[%mul3A_6, %dma_wait3A_145] : memref<8192x100xi32, #tpu.memory_space<hbm>> -> memref<4x100xi32, #tpu.memory_space<hbm>>
      %dma_wait3A_147 = arith.constant 0 : i32
      %dma_wait3A_148 = arith.constant 0 : i32
      %dma_wait3A_149 = tpu.memref_slice %arg7[%run_scoped3A, %dma_wait3A_147, %dma_wait3A_148] : memref<3x4x100xi32, #tpu.memory_space<vmem>> -> memref<1x4x100xi32, #tpu.memory_space<vmem>>
      %dma_wait3A_150 = tpu.memref_squeeze %dma_wait3A_149 : memref<1x4x100xi32, #tpu.memory_space<vmem>> -> memref<4x100xi32, #tpu.memory_space<vmem>>
      %dma_wait3A_151 = arith.constant 0 : i32
      %dma_wait3A_152 = tpu.memref_slice %arg2[%mul3A_6, %dma_wait3A_151] : memref<8192x100xi32, #tpu.memory_space<hbm>> -> memref<4x100xi32, #tpu.memory_space<hbm>>
      tpu.wait_dma2 semaphore(%run_scoped3A_128 : memref<!tpu.dma_semaphore, #tpu.memory_space<semaphore_mem>>) src(%dma_wait3A_152 : memref<4x100xi32, #tpu.memory_space<hbm>>) dst(%dma_wait3A_150 : memref<4x100xi32, #tpu.memory_space<vmem>>)
      tpu.yield
    }) : () -> ()
    %dma_start3A = arith.constant 0 : i32
    %dma_start3A_7 = arith.constant 0 : i32
    %dma_start3A_8 = arith.constant 0 : i32
    %dma_start3A_9 = arith.constant 0 : i32
    %dma_start3A_10 = arith.constant 0 : i32
    %dma_start3A_11 = arith.constant 0 : i32
    %dma_start3A_12 = tpu.memref_slice %arg8[%dma_start3A_8, %dma_start3A_10, %dma_start3A_11] : memref<3x400x64xf32, #tpu.memory_space<vmem>> -> memref<1x100x64xf32, #tpu.memory_space<vmem>>
    %dma_start3A_13 = tpu.memref_squeeze %dma_start3A_12 : memref<1x100x64xf32, #tpu.memory_space<vmem>> -> memref<100x64xf32, #tpu.memory_space<vmem>>
    %dma_start3A_14 = arith.constant 0 : i32
    %dma_start3A_15 = tpu.memref_slice %arg7[%dma_start3A, %dma_start3A_7, %dma_start3A_14] : memref<3x4x100xi32, #tpu.memory_space<vmem>> -> memref<1x1x100xi32, #tpu.memory_space<vmem>>
    %dma_start3A_16 = tpu.memref_squeeze %dma_start3A_15 : memref<1x1x100xi32, #tpu.memory_space<vmem>> -> memref<100xi32, #tpu.memory_space<vmem>>
    %dma_start3A_17 = arith.constant 0 : i32
    %dma_start3A_18 = arith.constant 0 : i32
    %dma_start3A_19 = tpu.memref_slice %arg3[%dma_start3A_17, %dma_start3A_18] : memref<1000000x64xf32, #tpu.memory_space<hbm>> -> memref<1000000x64xf32, #tpu.memory_space<hbm>>
    %dma_start3A_20 = tpu.memref_slice %arg10[%dma_start3A_9] : memref<3x!tpu.dma_semaphore, #tpu.memory_space<semaphore_mem>> -> memref<1x!tpu.dma_semaphore, #tpu.memory_space<semaphore_mem>>
    %dma_start3A_21 = tpu.memref_squeeze %dma_start3A_20 : memref<1x!tpu.dma_semaphore, #tpu.memory_space<semaphore_mem>> -> memref<!tpu.dma_semaphore, #tpu.memory_space<semaphore_mem>>
    tpu.enqueue_indirect_dma source(%dma_start3A_19 : memref<1000000x64xf32, #tpu.memory_space<hbm>>) target(%dma_start3A_13 : memref<100x64xf32, #tpu.memory_space<vmem>>) offsets(%dma_start3A_16 : memref<100xi32, #tpu.memory_space<vmem>>) semaphore(%dma_start3A_21 : memref<!tpu.dma_semaphore, #tpu.memory_space<semaphore_mem>>)
    %dma_start3A_22 = arith.constant 0 : i32
    %dma_start3A_23 = arith.constant 1 : i32
    %dma_start3A_24 = arith.constant 0 : i32
    %dma_start3A_25 = arith.constant 0 : i32
    %dma_start3A_26 = arith.constant 100 : i32
    %dma_start3A_27 = arith.constant 0 : i32
    %dma_start3A_28 = tpu.memref_slice %arg8[%dma_start3A_24, %dma_start3A_26, %dma_start3A_27] : memref<3x400x64xf32, #tpu.memory_space<vmem>> -> memref<1x100x64xf32, #tpu.memory_space<vmem>>
    %dma_start3A_29 = tpu.memref_squeeze %dma_start3A_28 : memref<1x100x64xf32, #tpu.memory_space<vmem>> -> memref<100x64xf32, #tpu.memory_space<vmem>>
    %dma_start3A_30 = arith.constant 0 : i32
    %dma_start3A_31 = tpu.memref_slice %arg7[%dma_start3A_22, %dma_start3A_23, %dma_start3A_30] : memref<3x4x100xi32, #tpu.memory_space<vmem>> -> memref<1x1x100xi32, #tpu.memory_space<vmem>>
    %dma_start3A_32 = tpu.memref_squeeze %dma_start3A_31 : memref<1x1x100xi32, #tpu.memory_space<vmem>> -> memref<100xi32, #tpu.memory_space<vmem>>
    %dma_start3A_33 = arith.constant 0 : i32
    %dma_start3A_34 = arith.constant 0 : i32
    %dma_start3A_35 = tpu.memref_slice %arg3[%dma_start3A_33, %dma_start3A_34] : memref<1000000x64xf32, #tpu.memory_space<hbm>> -> memref<1000000x64xf32, #tpu.memory_space<hbm>>
    %dma_start3A_36 = tpu.memref_slice %arg10[%dma_start3A_25] : memref<3x!tpu.dma_semaphore, #tpu.memory_space<semaphore_mem>> -> memref<1x!tpu.dma_semaphore, #tpu.memory_space<semaphore_mem>>
    %dma_start3A_37 = tpu.memref_squeeze %dma_start3A_36 : memref<1x!tpu.dma_semaphore, #tpu.memory_space<semaphore_mem>> -> memref<!tpu.dma_semaphore, #tpu.memory_space<semaphore_mem>>
    tpu.enqueue_indirect_dma source(%dma_start3A_35 : memref<1000000x64xf32, #tpu.memory_space<hbm>>) target(%dma_start3A_29 : memref<100x64xf32, #tpu.memory_space<vmem>>) offsets(%dma_start3A_32 : memref<100xi32, #tpu.memory_space<vmem>>) semaphore(%dma_start3A_37 : memref<!tpu.dma_semaphore, #tpu.memory_space<semaphore_mem>>)
    %dma_start3A_38 = arith.constant 0 : i32
    %dma_start3A_39 = arith.constant 2 : i32
    %dma_start3A_40 = arith.constant 0 : i32
    %dma_start3A_41 = arith.constant 0 : i32
    %dma_start3A_42 = arith.constant 200 : i32
    %dma_start3A_43 = arith.constant 0 : i32
    %dma_start3A_44 = tpu.memref_slice %arg8[%dma_start3A_40, %dma_start3A_42, %dma_start3A_43] : memref<3x400x64xf32, #tpu.memory_space<vmem>> -> memref<1x100x64xf32, #tpu.memory_space<vmem>>
    %dma_start3A_45 = tpu.memref_squeeze %dma_start3A_44 : memref<1x100x64xf32, #tpu.memory_space<vmem>> -> memref<100x64xf32, #tpu.memory_space<vmem>>
    %dma_start3A_46 = arith.constant 0 : i32
    %dma_start3A_47 = tpu.memref_slice %arg7[%dma_start3A_38, %dma_start3A_39, %dma_start3A_46] : memref<3x4x100xi32, #tpu.memory_space<vmem>> -> memref<1x1x100xi32, #tpu.memory_space<vmem>>
    %dma_start3A_48 = tpu.memref_squeeze %dma_start3A_47 : memref<1x1x100xi32, #tpu.memory_space<vmem>> -> memref<100xi32, #tpu.memory_space<vmem>>
    %dma_start3A_49 = arith.constant 0 : i32
    %dma_start3A_50 = arith.constant 0 : i32
    %dma_start3A_51 = tpu.memref_slice %arg3[%dma_start3A_49, %dma_start3A_50] : memref<1000000x64xf32, #tpu.memory_space<hbm>> -> memref<1000000x64xf32, #tpu.memory_space<hbm>>
    %dma_start3A_52 = tpu.memref_slice %arg10[%dma_start3A_41] : memref<3x!tpu.dma_semaphore, #tpu.memory_space<semaphore_mem>> -> memref<1x!tpu.dma_semaphore, #tpu.memory_space<semaphore_mem>>
    %dma_start3A_53 = tpu.memref_squeeze %dma_start3A_52 : memref<1x!tpu.dma_semaphore, #tpu.memory_space<semaphore_mem>> -> memref<!tpu.dma_semaphore, #tpu.memory_space<semaphore_mem>>
    tpu.enqueue_indirect_dma source(%dma_start3A_51 : memref<1000000x64xf32, #tpu.memory_space<hbm>>) target(%dma_start3A_45 : memref<100x64xf32, #tpu.memory_space<vmem>>) offsets(%dma_start3A_48 : memref<100xi32, #tpu.memory_space<vmem>>) semaphore(%dma_start3A_53 : memref<!tpu.dma_semaphore, #tpu.memory_space<semaphore_mem>>)
    %dma_start3A_54 = arith.constant 0 : i32
    %dma_start3A_55 = arith.constant 3 : i32
    %dma_start3A_56 = arith.constant 0 : i32
    %dma_start3A_57 = arith.constant 0 : i32
    %dma_start3A_58 = arith.constant 300 : i32
    %dma_start3A_59 = arith.constant 0 : i32
    %dma_start3A_60 = tpu.memref_slice %arg8[%dma_start3A_56, %dma_start3A_58, %dma_start3A_59] : memref<3x400x64xf32, #tpu.memory_space<vmem>> -> memref<1x100x64xf32, #tpu.memory_space<vmem>>
    %dma_start3A_61 = tpu.memref_squeeze %dma_start3A_60 : memref<1x100x64xf32, #tpu.memory_space<vmem>> -> memref<100x64xf32, #tpu.memory_space<vmem>>
    %dma_start3A_62 = arith.constant 0 : i32
    %dma_start3A_63 = tpu.memref_slice %arg7[%dma_start3A_54, %dma_start3A_55, %dma_start3A_62] : memref<3x4x100xi32, #tpu.memory_space<vmem>> -> memref<1x1x100xi32, #tpu.memory_space<vmem>>
    %dma_start3A_64 = tpu.memref_squeeze %dma_start3A_63 : memref<1x1x100xi32, #tpu.memory_space<vmem>> -> memref<100xi32, #tpu.memory_space<vmem>>
    %dma_start3A_65 = arith.constant 0 : i32
    %dma_start3A_66 = arith.constant 0 : i32
    %dma_start3A_67 = tpu.memref_slice %arg3[%dma_start3A_65, %dma_start3A_66] : memref<1000000x64xf32, #tpu.memory_space<hbm>> -> memref<1000000x64xf32, #tpu.memory_space<hbm>>
    %dma_start3A_68 = tpu.memref_slice %arg10[%dma_start3A_57] : memref<3x!tpu.dma_semaphore, #tpu.memory_space<semaphore_mem>> -> memref<1x!tpu.dma_semaphore, #tpu.memory_space<semaphore_mem>>
    %dma_start3A_69 = tpu.memref_squeeze %dma_start3A_68 : memref<1x!tpu.dma_semaphore, #tpu.memory_space<semaphore_mem>> -> memref<!tpu.dma_semaphore, #tpu.memory_space<semaphore_mem>>
    tpu.enqueue_indirect_dma source(%dma_start3A_67 : memref<1000000x64xf32, #tpu.memory_space<hbm>>) target(%dma_start3A_61 : memref<100x64xf32, #tpu.memory_space<vmem>>) offsets(%dma_start3A_64 : memref<100xi32, #tpu.memory_space<vmem>>) semaphore(%dma_start3A_69 : memref<!tpu.dma_semaphore, #tpu.memory_space<semaphore_mem>>)
    %scan3A = arith.constant 0 : i32
    %scan3A_70 = arith.constant 0 : i32
    %scan3A_71 = arith.constant 64 : i32
    %scan3A_72 = arith.addi %scan3A_70, %scan3A_71 : i32
    %scan3A_73 = arith.constant 1 : i32
    scf.for %scan3A_128 = %scan3A_70 to %scan3A_72 step %scan3A_73  : i32 {
      %jit3A = arith.constant 3 : i32
      %eq3A = arith.constant 0 : i32
      %eq3A_129 = arith.cmpi eq, %jit3A, %eq3A : i32
      %jit3A_130 = arith.constant 1 : i32
      %select_n3A = arith.select %eq3A_129, %jit3A_130, %jit3A : i32
      %rem3A = arith.remsi %scan3A_128, %select_n3A : i32
      %ne3A = arith.constant 0 : i32
      %ne3A_131 = arith.cmpi ne, %rem3A, %ne3A : i32
      %lt3A = arith.constant 0 : i32
      %lt3A_132 = arith.cmpi slt, %rem3A, %lt3A : i32
      %lt3A_133 = arith.constant 0 : i32
      %lt3A_134 = arith.cmpi slt, %select_n3A, %lt3A_133 : i32
      %ne3A_135 = arith.xori %lt3A_132, %lt3A_134 : i1
      %and3A = arith.andi %ne3A_135, %ne3A_131 : i1
      %add3A_136 = arith.addi %rem3A, %select_n3A : i32
      %select_n3A_137 = arith.select %and3A, %add3A_136, %rem3A : i32
      %add3A_138 = arith.constant 1 : i32
      %add3A_139 = arith.addi %scan3A_128, %add3A_138 : i32
      %jit3A_140 = arith.constant 3 : i32
      %eq3A_141 = arith.constant 0 : i32
      %eq3A_142 = arith.cmpi eq, %jit3A_140, %eq3A_141 : i32
      %jit3A_143 = arith.constant 1 : i32
      %select_n3A_144 = arith.select %eq3A_142, %jit3A_143, %jit3A_140 : i32
      %rem3A_145 = arith.remsi %add3A_139, %select_n3A_144 : i32
      %ne3A_146 = arith.constant 0 : i32
      %ne3A_147 = arith.cmpi ne, %rem3A_145, %ne3A_146 : i32
      %lt3A_148 = arith.constant 0 : i32
      %lt3A_149 = arith.cmpi slt, %rem3A_145, %lt3A_148 : i32
      %lt3A_150 = arith.constant 0 : i32
      %lt3A_151 = arith.cmpi slt, %select_n3A_144, %lt3A_150 : i32
      %ne3A_152 = arith.xori %lt3A_149, %lt3A_151 : i1
      %and3A_153 = arith.andi %ne3A_152, %ne3A_147 : i1
      %add3A_154 = arith.addi %rem3A_145, %select_n3A_144 : i32
      %select_n3A_155 = arith.select %and3A_153, %add3A_154, %rem3A_145 : i32
      %add3A_156 = arith.constant 1 : i32
      %add3A_157 = arith.addi %scan3A_128, %add3A_156 : i32
      %lt3A_158 = arith.constant 64 : i32
      %lt3A_159 = arith.cmpi slt, %add3A_157, %lt3A_158 : i32
      %convert_element_type3A = arith.extui %lt3A_159 : i1 to i32
      %cond3A = arith.constant 0 : i32
      %cond3A_160 = arith.cmpi ne, %convert_element_type3A, %cond3A : i32
      scf.if %cond3A_160 {
        %add3A_248 = arith.constant 1 : i32
        %add3A_249 = arith.addi %scan3A_128, %add3A_248 : i32
        %add3A_250 = arith.addi %mul3A_2, %add3A_249 : i32
        %mul3A_251 = arith.constant 4 : i32
        %mul3A_252 = arith.muli %add3A_250, %mul3A_251 : i32
        "tpu.region"() ({
          %run_scoped3A_311 = tpu.sem_alloc : memref<!tpu.dma_semaphore, #tpu.memory_space<semaphore_mem>>
          %dma_start3A_312 = arith.constant 0 : i32
          %dma_start3A_313 = arith.constant 0 : i32
          %dma_start3A_314 = tpu.memref_slice %arg7[%select_n3A_155, %dma_start3A_312, %dma_start3A_313] : memref<3x4x100xi32, #tpu.memory_space<vmem>> -> memref<1x4x100xi32, #tpu.memory_space<vmem>>
          %dma_start3A_315 = tpu.memref_squeeze %dma_start3A_314 : memref<1x4x100xi32, #tpu.memory_space<vmem>> -> memref<4x100xi32, #tpu.memory_space<vmem>>
          %dma_start3A_316 = arith.constant 0 : i32
          %dma_start3A_317 = tpu.memref_slice %arg2[%mul3A_252, %dma_start3A_316] : memref<8192x100xi32, #tpu.memory_space<hbm>> -> memref<4x100xi32, #tpu.memory_space<hbm>>
          %dma_start3A_318 = arith.constant 0 : i32
          %dma_start3A_319 = arith.constant 0 : i32
          %dma_start3A_320 = tpu.memref_slice %arg7[%select_n3A_155, %dma_start3A_318, %dma_start3A_319] : memref<3x4x100xi32, #tpu.memory_space<vmem>> -> memref<1x4x100xi32, #tpu.memory_space<vmem>>
          %dma_start3A_321 = tpu.memref_squeeze %dma_start3A_320 : memref<1x4x100xi32, #tpu.memory_space<vmem>> -> memref<4x100xi32, #tpu.memory_space<vmem>>
          %dma_start3A_322 = arith.constant 0 : i32
          %dma_start3A_323 = tpu.memref_slice %arg2[%mul3A_252, %dma_start3A_322] : memref<8192x100xi32, #tpu.memory_space<hbm>> -> memref<4x100xi32, #tpu.memory_space<hbm>>
          tpu.enqueue_dma source(%dma_start3A_323 : memref<4x100xi32, #tpu.memory_space<hbm>>) target(%dma_start3A_321 : memref<4x100xi32, #tpu.memory_space<vmem>>) target_semaphore(%run_scoped3A_311 : memref<!tpu.dma_semaphore, #tpu.memory_space<semaphore_mem>>)
          %dma_wait3A_324 = arith.constant 0 : i32
          %dma_wait3A_325 = arith.constant 0 : i32
          %dma_wait3A_326 = tpu.memref_slice %arg7[%select_n3A_155, %dma_wait3A_324, %dma_wait3A_325] : memref<3x4x100xi32, #tpu.memory_space<vmem>> -> memref<1x4x100xi32, #tpu.memory_space<vmem>>
          %dma_wait3A_327 = tpu.memref_squeeze %dma_wait3A_326 : memref<1x4x100xi32, #tpu.memory_space<vmem>> -> memref<4x100xi32, #tpu.memory_space<vmem>>
          %dma_wait3A_328 = arith.constant 0 : i32
          %dma_wait3A_329 = tpu.memref_slice %arg2[%mul3A_252, %dma_wait3A_328] : memref<8192x100xi32, #tpu.memory_space<hbm>> -> memref<4x100xi32, #tpu.memory_space<hbm>>
          %dma_wait3A_330 = arith.constant 0 : i32
          %dma_wait3A_331 = arith.constant 0 : i32
          %dma_wait3A_332 = tpu.memref_slice %arg7[%select_n3A_155, %dma_wait3A_330, %dma_wait3A_331] : memref<3x4x100xi32, #tpu.memory_space<vmem>> -> memref<1x4x100xi32, #tpu.memory_space<vmem>>
          %dma_wait3A_333 = tpu.memref_squeeze %dma_wait3A_332 : memref<1x4x100xi32, #tpu.memory_space<vmem>> -> memref<4x100xi32, #tpu.memory_space<vmem>>
          %dma_wait3A_334 = arith.constant 0 : i32
          %dma_wait3A_335 = tpu.memref_slice %arg2[%mul3A_252, %dma_wait3A_334] : memref<8192x100xi32, #tpu.memory_space<hbm>> -> memref<4x100xi32, #tpu.memory_space<hbm>>
          tpu.wait_dma2 semaphore(%run_scoped3A_311 : memref<!tpu.dma_semaphore, #tpu.memory_space<semaphore_mem>>) src(%dma_wait3A_335 : memref<4x100xi32, #tpu.memory_space<hbm>>) dst(%dma_wait3A_333 : memref<4x100xi32, #tpu.memory_space<vmem>>)
          tpu.yield
        }) : () -> ()
        %add3A_253 = arith.constant 1 : i32
        %add3A_254 = arith.addi %scan3A_128, %add3A_253 : i32
        %ge3A = arith.constant 3 : i32
        %ge3A_255 = arith.cmpi sge, %add3A_254, %ge3A : i32
        %convert_element_type3A_256 = arith.extui %ge3A_255 : i1 to i32
        %cond3A_257 = arith.constant 0 : i32
        %cond3A_258 = arith.cmpi ne, %convert_element_type3A_256, %cond3A_257 : i32
        scf.if %cond3A_258 {
          %dma_wait3A_311 = arith.constant 0 : i32
          %dma_wait3A_312 = arith.constant 0 : i32
          %dma_wait3A_313 = tpu.memref_slice %arg8[%select_n3A_155, %dma_wait3A_311, %dma_wait3A_312] : memref<3x400x64xf32, #tpu.memory_space<vmem>> -> memref<1x400x64xf32, #tpu.memory_space<vmem>>
          %dma_wait3A_314 = tpu.memref_squeeze %dma_wait3A_313 : memref<1x400x64xf32, #tpu.memory_space<vmem>> -> memref<400x64xf32, #tpu.memory_space<vmem>>
          %dma_wait3A_315 = arith.constant 0 : i32
          %dma_wait3A_316 = arith.constant 0 : i32
          %dma_wait3A_317 = tpu.memref_slice %arg5[%dma_wait3A_315, %dma_wait3A_316] : memref<819200x64xf32, #tpu.memory_space<hbm>> -> memref<400x64xf32, #tpu.memory_space<hbm>>
          %dma_wait3A_318 = tpu.memref_slice %arg11[%select_n3A_155] : memref<3x!tpu.dma_semaphore, #tpu.memory_space<semaphore_mem>> -> memref<1x!tpu.dma_semaphore, #tpu.memory_space<semaphore_mem>>
          %dma_wait3A_319 = tpu.memref_squeeze %dma_wait3A_318 : memref<1x!tpu.dma_semaphore, #tpu.memory_space<semaphore_mem>> -> memref<!tpu.dma_semaphore, #tpu.memory_space<semaphore_mem>>
          %dma_wait3A_320 = arith.constant 0 : i32
          %dma_wait3A_321 = arith.constant 0 : i32
          %dma_wait3A_322 = tpu.memref_slice %arg5[%dma_wait3A_320, %dma_wait3A_321] : memref<819200x64xf32, #tpu.memory_space<hbm>> -> memref<400x64xf32, #tpu.memory_space<hbm>>
          %dma_wait3A_323 = arith.constant 0 : i32
          %dma_wait3A_324 = arith.constant 0 : i32
          %dma_wait3A_325 = tpu.memref_slice %arg8[%select_n3A_155, %dma_wait3A_323, %dma_wait3A_324] : memref<3x400x64xf32, #tpu.memory_space<vmem>> -> memref<1x400x64xf32, #tpu.memory_space<vmem>>
          %dma_wait3A_326 = tpu.memref_squeeze %dma_wait3A_325 : memref<1x400x64xf32, #tpu.memory_space<vmem>> -> memref<400x64xf32, #tpu.memory_space<vmem>>
          tpu.wait_dma2 semaphore(%dma_wait3A_319 : memref<!tpu.dma_semaphore, #tpu.memory_space<semaphore_mem>>) src(%dma_wait3A_326 : memref<400x64xf32, #tpu.memory_space<vmem>>) dst(%dma_wait3A_322 : memref<400x64xf32, #tpu.memory_space<hbm>>)
        } else {
        }
        %dma_start3A_259 = arith.constant 0 : i32
        %dma_start3A_260 = arith.constant 0 : i32
        %dma_start3A_261 = arith.constant 0 : i32
        %dma_start3A_262 = tpu.memref_slice %arg8[%select_n3A_155, %dma_start3A_260, %dma_start3A_261] : memref<3x400x64xf32, #tpu.memory_space<vmem>> -> memref<1x100x64xf32, #tpu.memory_space<vmem>>
        %dma_start3A_263 = tpu.memref_squeeze %dma_start3A_262 : memref<1x100x64xf32, #tpu.memory_space<vmem>> -> memref<100x64xf32, #tpu.memory_space<vmem>>
        %dma_start3A_264 = arith.constant 0 : i32
        %dma_start3A_265 = tpu.memref_slice %arg7[%select_n3A_155, %dma_start3A_259, %dma_start3A_264] : memref<3x4x100xi32, #tpu.memory_space<vmem>> -> memref<1x1x100xi32, #tpu.memory_space<vmem>>
        %dma_start3A_266 = tpu.memref_squeeze %dma_start3A_265 : memref<1x1x100xi32, #tpu.memory_space<vmem>> -> memref<100xi32, #tpu.memory_space<vmem>>
        %dma_start3A_267 = arith.constant 0 : i32
        %dma_start3A_268 = arith.constant 0 : i32
        %dma_start3A_269 = tpu.memref_slice %arg3[%dma_start3A_267, %dma_start3A_268] : memref<1000000x64xf32, #tpu.memory_space<hbm>> -> memref<1000000x64xf32, #tpu.memory_space<hbm>>
        %dma_start3A_270 = tpu.memref_slice %arg10[%select_n3A_155] : memref<3x!tpu.dma_semaphore, #tpu.memory_space<semaphore_mem>> -> memref<1x!tpu.dma_semaphore, #tpu.memory_space<semaphore_mem>>
        %dma_start3A_271 = tpu.memref_squeeze %dma_start3A_270 : memref<1x!tpu.dma_semaphore, #tpu.memory_space<semaphore_mem>> -> memref<!tpu.dma_semaphore, #tpu.memory_space<semaphore_mem>>
        tpu.enqueue_indirect_dma source(%dma_start3A_269 : memref<1000000x64xf32, #tpu.memory_space<hbm>>) target(%dma_start3A_263 : memref<100x64xf32, #tpu.memory_space<vmem>>) offsets(%dma_start3A_266 : memref<100xi32, #tpu.memory_space<vmem>>) semaphore(%dma_start3A_271 : memref<!tpu.dma_semaphore, #tpu.memory_space<semaphore_mem>>)
        %dma_start3A_272 = arith.constant 1 : i32
        %dma_start3A_273 = arith.constant 100 : i32
        %dma_start3A_274 = arith.constant 0 : i32
        %dma_start3A_275 = tpu.memref_slice %arg8[%select_n3A_155, %dma_start3A_273, %dma_start3A_274] : memref<3x400x64xf32, #tpu.memory_space<vmem>> -> memref<1x100x64xf32, #tpu.memory_space<vmem>>
        %dma_start3A_276 = tpu.memref_squeeze %dma_start3A_275 : memref<1x100x64xf32, #tpu.memory_space<vmem>> -> memref<100x64xf32, #tpu.memory_space<vmem>>
        %dma_start3A_277 = arith.constant 0 : i32
        %dma_start3A_278 = tpu.memref_slice %arg7[%select_n3A_155, %dma_start3A_272, %dma_start3A_277] : memref<3x4x100xi32, #tpu.memory_space<vmem>> -> memref<1x1x100xi32, #tpu.memory_space<vmem>>
        %dma_start3A_279 = tpu.memref_squeeze %dma_start3A_278 : memref<1x1x100xi32, #tpu.memory_space<vmem>> -> memref<100xi32, #tpu.memory_space<vmem>>
        %dma_start3A_280 = arith.constant 0 : i32
        %dma_start3A_281 = arith.constant 0 : i32
        %dma_start3A_282 = tpu.memref_slice %arg3[%dma_start3A_280, %dma_start3A_281] : memref<1000000x64xf32, #tpu.memory_space<hbm>> -> memref<1000000x64xf32, #tpu.memory_space<hbm>>
        %dma_start3A_283 = tpu.memref_slice %arg10[%select_n3A_155] : memref<3x!tpu.dma_semaphore, #tpu.memory_space<semaphore_mem>> -> memref<1x!tpu.dma_semaphore, #tpu.memory_space<semaphore_mem>>
        %dma_start3A_284 = tpu.memref_squeeze %dma_start3A_283 : memref<1x!tpu.dma_semaphore, #tpu.memory_space<semaphore_mem>> -> memref<!tpu.dma_semaphore, #tpu.memory_space<semaphore_mem>>
        tpu.enqueue_indirect_dma source(%dma_start3A_282 : memref<1000000x64xf32, #tpu.memory_space<hbm>>) target(%dma_start3A_276 : memref<100x64xf32, #tpu.memory_space<vmem>>) offsets(%dma_start3A_279 : memref<100xi32, #tpu.memory_space<vmem>>) semaphore(%dma_start3A_284 : memref<!tpu.dma_semaphore, #tpu.memory_space<semaphore_mem>>)
        %dma_start3A_285 = arith.constant 2 : i32
        %dma_start3A_286 = arith.constant 200 : i32
        %dma_start3A_287 = arith.constant 0 : i32
        %dma_start3A_288 = tpu.memref_slice %arg8[%select_n3A_155, %dma_start3A_286, %dma_start3A_287] : memref<3x400x64xf32, #tpu.memory_space<vmem>> -> memref<1x100x64xf32, #tpu.memory_space<vmem>>
        %dma_start3A_289 = tpu.memref_squeeze %dma_start3A_288 : memref<1x100x64xf32, #tpu.memory_space<vmem>> -> memref<100x64xf32, #tpu.memory_space<vmem>>
        %dma_start3A_290 = arith.constant 0 : i32
        %dma_start3A_291 = tpu.memref_slice %arg7[%select_n3A_155, %dma_start3A_285, %dma_start3A_290] : memref<3x4x100xi32, #tpu.memory_space<vmem>> -> memref<1x1x100xi32, #tpu.memory_space<vmem>>
        %dma_start3A_292 = tpu.memref_squeeze %dma_start3A_291 : memref<1x1x100xi32, #tpu.memory_space<vmem>> -> memref<100xi32, #tpu.memory_space<vmem>>
        %dma_start3A_293 = arith.constant 0 : i32
        %dma_start3A_294 = arith.constant 0 : i32
        %dma_start3A_295 = tpu.memref_slice %arg3[%dma_start3A_293, %dma_start3A_294] : memref<1000000x64xf32, #tpu.memory_space<hbm>> -> memref<1000000x64xf32, #tpu.memory_space<hbm>>
        %dma_start3A_296 = tpu.memref_slice %arg10[%select_n3A_155] : memref<3x!tpu.dma_semaphore, #tpu.memory_space<semaphore_mem>> -> memref<1x!tpu.dma_semaphore, #tpu.memory_space<semaphore_mem>>
        %dma_start3A_297 = tpu.memref_squeeze %dma_start3A_296 : memref<1x!tpu.dma_semaphore, #tpu.memory_space<semaphore_mem>> -> memref<!tpu.dma_semaphore, #tpu.memory_space<semaphore_mem>>
        tpu.enqueue_indirect_dma source(%dma_start3A_295 : memref<1000000x64xf32, #tpu.memory_space<hbm>>) target(%dma_start3A_289 : memref<100x64xf32, #tpu.memory_space<vmem>>) offsets(%dma_start3A_292 : memref<100xi32, #tpu.memory_space<vmem>>) semaphore(%dma_start3A_297 : memref<!tpu.dma_semaphore, #tpu.memory_space<semaphore_mem>>)
        %dma_start3A_298 = arith.constant 3 : i32
        %dma_start3A_299 = arith.constant 300 : i32
        %dma_start3A_300 = arith.constant 0 : i32
        %dma_start3A_301 = tpu.memref_slice %arg8[%select_n3A_155, %dma_start3A_299, %dma_start3A_300] : memref<3x400x64xf32, #tpu.memory_space<vmem>> -> memref<1x100x64xf32, #tpu.memory_space<vmem>>
        %dma_start3A_302 = tpu.memref_squeeze %dma_start3A_301 : memref<1x100x64xf32, #tpu.memory_space<vmem>> -> memref<100x64xf32, #tpu.memory_space<vmem>>
        %dma_start3A_303 = arith.constant 0 : i32
        %dma_start3A_304 = tpu.memref_slice %arg7[%select_n3A_155, %dma_start3A_298, %dma_start3A_303] : memref<3x4x100xi32, #tpu.memory_space<vmem>> -> memref<1x1x100xi32, #tpu.memory_space<vmem>>
        %dma_start3A_305 = tpu.memref_squeeze %dma_start3A_304 : memref<1x1x100xi32, #tpu.memory_space<vmem>> -> memref<100xi32, #tpu.memory_space<vmem>>
        %dma_start3A_306 = arith.constant 0 : i32
        %dma_start3A_307 = arith.constant 0 : i32
        %dma_start3A_308 = tpu.memref_slice %arg3[%dma_start3A_306, %dma_start3A_307] : memref<1000000x64xf32, #tpu.memory_space<hbm>> -> memref<1000000x64xf32, #tpu.memory_space<hbm>>
        %dma_start3A_309 = tpu.memref_slice %arg10[%select_n3A_155] : memref<3x!tpu.dma_semaphore, #tpu.memory_space<semaphore_mem>> -> memref<1x!tpu.dma_semaphore, #tpu.memory_space<semaphore_mem>>
        %dma_start3A_310 = tpu.memref_squeeze %dma_start3A_309 : memref<1x!tpu.dma_semaphore, #tpu.memory_space<semaphore_mem>> -> memref<!tpu.dma_semaphore, #tpu.memory_space<semaphore_mem>>
        tpu.enqueue_indirect_dma source(%dma_start3A_308 : memref<1000000x64xf32, #tpu.memory_space<hbm>>) target(%dma_start3A_302 : memref<100x64xf32, #tpu.memory_space<vmem>>) offsets(%dma_start3A_305 : memref<100xi32, #tpu.memory_space<vmem>>) semaphore(%dma_start3A_310 : memref<!tpu.dma_semaphore, #tpu.memory_space<semaphore_mem>>)
      } else {
      }
      %dma_wait3A_161 = arith.constant 0 : i32
      %dma_wait3A_162 = arith.constant 0 : i32
      %dma_wait3A_163 = tpu.memref_slice %arg8[%select_n3A_137, %dma_wait3A_161, %dma_wait3A_162] : memref<3x400x64xf32, #tpu.memory_space<vmem>> -> memref<1x100x64xf32, #tpu.memory_space<vmem>>
      %dma_wait3A_164 = tpu.memref_squeeze %dma_wait3A_163 : memref<1x100x64xf32, #tpu.memory_space<vmem>> -> memref<100x64xf32, #tpu.memory_space<vmem>>
      %dma_wait3A_165 = arith.constant 0 : i32
      %dma_wait3A_166 = arith.constant 0 : i32
      %dma_wait3A_167 = tpu.memref_slice %arg3[%dma_wait3A_165, %dma_wait3A_166] : memref<1000000x64xf32, #tpu.memory_space<hbm>> -> memref<100x64xf32, #tpu.memory_space<hbm>>
      %dma_wait3A_168 = tpu.memref_slice %arg10[%select_n3A_137] : memref<3x!tpu.dma_semaphore, #tpu.memory_space<semaphore_mem>> -> memref<1x!tpu.dma_semaphore, #tpu.memory_space<semaphore_mem>>
      %dma_wait3A_169 = tpu.memref_squeeze %dma_wait3A_168 : memref<1x!tpu.dma_semaphore, #tpu.memory_space<semaphore_mem>> -> memref<!tpu.dma_semaphore, #tpu.memory_space<semaphore_mem>>
      %dma_wait3A_170 = arith.constant 0 : i32
      %dma_wait3A_171 = arith.constant 0 : i32
      %dma_wait3A_172 = tpu.memref_slice %arg8[%select_n3A_137, %dma_wait3A_170, %dma_wait3A_171] : memref<3x400x64xf32, #tpu.memory_space<vmem>> -> memref<1x100x64xf32, #tpu.memory_space<vmem>>
      %dma_wait3A_173 = tpu.memref_squeeze %dma_wait3A_172 : memref<1x100x64xf32, #tpu.memory_space<vmem>> -> memref<100x64xf32, #tpu.memory_space<vmem>>
      %dma_wait3A_174 = arith.constant 0 : i32
      %dma_wait3A_175 = arith.constant 0 : i32
      %dma_wait3A_176 = tpu.memref_slice %arg3[%dma_wait3A_174, %dma_wait3A_175] : memref<1000000x64xf32, #tpu.memory_space<hbm>> -> memref<100x64xf32, #tpu.memory_space<hbm>>
      tpu.wait_dma2 semaphore(%dma_wait3A_169 : memref<!tpu.dma_semaphore, #tpu.memory_space<semaphore_mem>>) src(%dma_wait3A_176 : memref<100x64xf32, #tpu.memory_space<hbm>>) dst(%dma_wait3A_173 : memref<100x64xf32, #tpu.memory_space<vmem>>)
      %dma_wait3A_177 = arith.constant 100 : i32
      %dma_wait3A_178 = arith.constant 0 : i32
      %dma_wait3A_179 = tpu.memref_slice %arg8[%select_n3A_137, %dma_wait3A_177, %dma_wait3A_178] : memref<3x400x64xf32, #tpu.memory_space<vmem>> -> memref<1x100x64xf32, #tpu.memory_space<vmem>>
      %dma_wait3A_180 = tpu.memref_squeeze %dma_wait3A_179 : memref<1x100x64xf32, #tpu.memory_space<vmem>> -> memref<100x64xf32, #tpu.memory_space<vmem>>
      %dma_wait3A_181 = arith.constant 0 : i32
      %dma_wait3A_182 = arith.constant 0 : i32
      %dma_wait3A_183 = tpu.memref_slice %arg3[%dma_wait3A_181, %dma_wait3A_182] : memref<1000000x64xf32, #tpu.memory_space<hbm>> -> memref<100x64xf32, #tpu.memory_space<hbm>>
      %dma_wait3A_184 = tpu.memref_slice %arg10[%select_n3A_137] : memref<3x!tpu.dma_semaphore, #tpu.memory_space<semaphore_mem>> -> memref<1x!tpu.dma_semaphore, #tpu.memory_space<semaphore_mem>>
      %dma_wait3A_185 = tpu.memref_squeeze %dma_wait3A_184 : memref<1x!tpu.dma_semaphore, #tpu.memory_space<semaphore_mem>> -> memref<!tpu.dma_semaphore, #tpu.memory_space<semaphore_mem>>
      %dma_wait3A_186 = arith.constant 100 : i32
      %dma_wait3A_187 = arith.constant 0 : i32
      %dma_wait3A_188 = tpu.memref_slice %arg8[%select_n3A_137, %dma_wait3A_186, %dma_wait3A_187] : memref<3x400x64xf32, #tpu.memory_space<vmem>> -> memref<1x100x64xf32, #tpu.memory_space<vmem>>
      %dma_wait3A_189 = tpu.memref_squeeze %dma_wait3A_188 : memref<1x100x64xf32, #tpu.memory_space<vmem>> -> memref<100x64xf32, #tpu.memory_space<vmem>>
      %dma_wait3A_190 = arith.constant 0 : i32
      %dma_wait3A_191 = arith.constant 0 : i32
      %dma_wait3A_192 = tpu.memref_slice %arg3[%dma_wait3A_190, %dma_wait3A_191] : memref<1000000x64xf32, #tpu.memory_space<hbm>> -> memref<100x64xf32, #tpu.memory_space<hbm>>
      tpu.wait_dma2 semaphore(%dma_wait3A_185 : memref<!tpu.dma_semaphore, #tpu.memory_space<semaphore_mem>>) src(%dma_wait3A_192 : memref<100x64xf32, #tpu.memory_space<hbm>>) dst(%dma_wait3A_189 : memref<100x64xf32, #tpu.memory_space<vmem>>)
      %dma_wait3A_193 = arith.constant 200 : i32
      %dma_wait3A_194 = arith.constant 0 : i32
      %dma_wait3A_195 = tpu.memref_slice %arg8[%select_n3A_137, %dma_wait3A_193, %dma_wait3A_194] : memref<3x400x64xf32, #tpu.memory_space<vmem>> -> memref<1x100x64xf32, #tpu.memory_space<vmem>>
      %dma_wait3A_196 = tpu.memref_squeeze %dma_wait3A_195 : memref<1x100x64xf32, #tpu.memory_space<vmem>> -> memref<100x64xf32, #tpu.memory_space<vmem>>
      %dma_wait3A_197 = arith.constant 0 : i32
      %dma_wait3A_198 = arith.constant 0 : i32
      %dma_wait3A_199 = tpu.memref_slice %arg3[%dma_wait3A_197, %dma_wait3A_198] : memref<1000000x64xf32, #tpu.memory_space<hbm>> -> memref<100x64xf32, #tpu.memory_space<hbm>>
      %dma_wait3A_200 = tpu.memref_slice %arg10[%select_n3A_137] : memref<3x!tpu.dma_semaphore, #tpu.memory_space<semaphore_mem>> -> memref<1x!tpu.dma_semaphore, #tpu.memory_space<semaphore_mem>>
      %dma_wait3A_201 = tpu.memref_squeeze %dma_wait3A_200 : memref<1x!tpu.dma_semaphore, #tpu.memory_space<semaphore_mem>> -> memref<!tpu.dma_semaphore, #tpu.memory_space<semaphore_mem>>
      %dma_wait3A_202 = arith.constant 200 : i32
      %dma_wait3A_203 = arith.constant 0 : i32
      %dma_wait3A_204 = tpu.memref_slice %arg8[%select_n3A_137, %dma_wait3A_202, %dma_wait3A_203] : memref<3x400x64xf32, #tpu.memory_space<vmem>> -> memref<1x100x64xf32, #tpu.memory_space<vmem>>
      %dma_wait3A_205 = tpu.memref_squeeze %dma_wait3A_204 : memref<1x100x64xf32, #tpu.memory_space<vmem>> -> memref<100x64xf32, #tpu.memory_space<vmem>>
      %dma_wait3A_206 = arith.constant 0 : i32
      %dma_wait3A_207 = arith.constant 0 : i32
      %dma_wait3A_208 = tpu.memref_slice %arg3[%dma_wait3A_206, %dma_wait3A_207] : memref<1000000x64xf32, #tpu.memory_space<hbm>> -> memref<100x64xf32, #tpu.memory_space<hbm>>
      tpu.wait_dma2 semaphore(%dma_wait3A_201 : memref<!tpu.dma_semaphore, #tpu.memory_space<semaphore_mem>>) src(%dma_wait3A_208 : memref<100x64xf32, #tpu.memory_space<hbm>>) dst(%dma_wait3A_205 : memref<100x64xf32, #tpu.memory_space<vmem>>)
      %dma_wait3A_209 = arith.constant 300 : i32
      %dma_wait3A_210 = arith.constant 0 : i32
      %dma_wait3A_211 = tpu.memref_slice %arg8[%select_n3A_137, %dma_wait3A_209, %dma_wait3A_210] : memref<3x400x64xf32, #tpu.memory_space<vmem>> -> memref<1x100x64xf32, #tpu.memory_space<vmem>>
      %dma_wait3A_212 = tpu.memref_squeeze %dma_wait3A_211 : memref<1x100x64xf32, #tpu.memory_space<vmem>> -> memref<100x64xf32, #tpu.memory_space<vmem>>
      %dma_wait3A_213 = arith.constant 0 : i32
      %dma_wait3A_214 = arith.constant 0 : i32
      %dma_wait3A_215 = tpu.memref_slice %arg3[%dma_wait3A_213, %dma_wait3A_214] : memref<1000000x64xf32, #tpu.memory_space<hbm>> -> memref<100x64xf32, #tpu.memory_space<hbm>>
      %dma_wait3A_216 = tpu.memref_slice %arg10[%select_n3A_137] : memref<3x!tpu.dma_semaphore, #tpu.memory_space<semaphore_mem>> -> memref<1x!tpu.dma_semaphore, #tpu.memory_space<semaphore_mem>>
      %dma_wait3A_217 = tpu.memref_squeeze %dma_wait3A_216 : memref<1x!tpu.dma_semaphore, #tpu.memory_space<semaphore_mem>> -> memref<!tpu.dma_semaphore, #tpu.memory_space<semaphore_mem>>
      %dma_wait3A_218 = arith.constant 300 : i32
      %dma_wait3A_219 = arith.constant 0 : i32
      %dma_wait3A_220 = tpu.memref_slice %arg8[%select_n3A_137, %dma_wait3A_218, %dma_wait3A_219] : memref<3x400x64xf32, #tpu.memory_space<vmem>> -> memref<1x100x64xf32, #tpu.memory_space<vmem>>
      %dma_wait3A_221 = tpu.memref_squeeze %dma_wait3A_220 : memref<1x100x64xf32, #tpu.memory_space<vmem>> -> memref<100x64xf32, #tpu.memory_space<vmem>>
      %dma_wait3A_222 = arith.constant 0 : i32
      %dma_wait3A_223 = arith.constant 0 : i32
      %dma_wait3A_224 = tpu.memref_slice %arg3[%dma_wait3A_222, %dma_wait3A_223] : memref<1000000x64xf32, #tpu.memory_space<hbm>> -> memref<100x64xf32, #tpu.memory_space<hbm>>
      tpu.wait_dma2 semaphore(%dma_wait3A_217 : memref<!tpu.dma_semaphore, #tpu.memory_space<semaphore_mem>>) src(%dma_wait3A_224 : memref<100x64xf32, #tpu.memory_space<hbm>>) dst(%dma_wait3A_221 : memref<100x64xf32, #tpu.memory_space<vmem>>)
      %scan3A_225 = arith.constant 0 : i32
      %scan3A_226 = arith.constant 0 : i32
      %scan3A_227 = arith.constant 50 : i32
      %scan3A_228 = arith.addi %scan3A_226, %scan3A_227 : i32
      %scan3A_229 = arith.constant 2 : i32
      scf.for %scan3A_248 = %scan3A_226 to %scan3A_228 step %scan3A_229  : i32 {
        %mul3A_249 = arith.constant 4 : i32
        %mul3A_250 = arith.muli %scan3A_248, %mul3A_249 : i32
        %add3A_251 = arith.constant 0 : i32
        %add3A_252 = arith.addi %mul3A_250, %add3A_251 : i32
        %get3A = arith.index_cast %add3A_252 : i32 to index
        %get3A_253 = arith.constant 0 : index
        %get3A_254 = tpu.vector_load %arg6[%get3A, %get3A_253] {strides = array<i32>} : memref<200x64xf32, #tpu.memory_space<vmem>>, vector<1x16xf32>,
        %get3A_255 = vector.shape_cast %get3A_254 : vector<1x16xf32> to vector<16xf32>
        %add3A_256 = arith.constant 0 : i32
        %add3A_257 = arith.addi %add3A_256, %add3A_252 : i32
        %swap3A = arith.index_cast %select_n3A_137 : i32 to index
        %swap3A_258 = arith.index_cast %add3A_257 : i32 to index
        %swap3A_259 = arith.constant 0 : index
        %swap3A_260 = tpu.vector_load %arg8[%swap3A, %swap3A_258, %swap3A_259] {strides = array<i32>} : memref<3x400x64xf32, #tpu.memory_space<vmem>>, vector<1x1x16xf32>,
        %swap3A_261 = vector.shape_cast %swap3A_260 : vector<1x1x16xf32> to vector<16xf32>
        %swap3A_262 = vector.shape_cast %get3A_255 : vector<16xf32> to vector<1x1x16xf32>
        tpu.vector_store %arg8[%swap3A, %swap3A_258, %swap3A_259], %swap3A_262 {add = true, strides = array<i32>} : memref<3x400x64xf32, #tpu.memory_space<vmem>>, vector<1x1x16xf32>,
        %add3A_263 = arith.constant 200 : i32
        %add3A_264 = arith.addi %add3A_263, %add3A_252 : i32
        %swap3A_265 = arith.index_cast %select_n3A_137 : i32 to index
        %swap3A_266 = arith.index_cast %add3A_264 : i32 to index
        %swap3A_267 = arith.constant 0 : index
        %swap3A_268 = tpu.vector_load %arg8[%swap3A_265, %swap3A_266, %swap3A_267] {strides = array<i32>} : memref<3x400x64xf32, #tpu.memory_space<vmem>>, vector<1x1x16xf32>,
        %swap3A_269 = vector.shape_cast %swap3A_268 : vector<1x1x16xf32> to vector<16xf32>
        %swap3A_270 = vector.shape_cast %get3A_255 : vector<16xf32> to vector<1x1x16xf32>
        tpu.vector_store %arg8[%swap3A_265, %swap3A_266, %swap3A_267], %swap3A_270 {add = true, strides = array<i32>} : memref<3x400x64xf32, #tpu.memory_space<vmem>>, vector<1x1x16xf32>,
        %get3A_271 = arith.index_cast %add3A_252 : i32 to index
        %get3A_272 = arith.constant 16 : index
        %get3A_273 = tpu.vector_load %arg6[%get3A_271, %get3A_272] {strides = array<i32>} : memref<200x64xf32, #tpu.memory_space<vmem>>, vector<1x16xf32>,
        %get3A_274 = vector.shape_cast %get3A_273 : vector<1x16xf32> to vector<16xf32>
        %add3A_275 = arith.constant 0 : i32
        %add3A_276 = arith.addi %add3A_275, %add3A_252 : i32
        %swap3A_277 = arith.index_cast %select_n3A_137 : i32 to index
        %swap3A_278 = arith.index_cast %add3A_276 : i32 to index
        %swap3A_279 = arith.constant 16 : index
        %swap3A_280 = tpu.vector_load %arg8[%swap3A_277, %swap3A_278, %swap3A_279] {strides = array<i32>} : memref<3x400x64xf32, #tpu.memory_space<vmem>>, vector<1x1x16xf32>,
        %swap3A_281 = vector.shape_cast %swap3A_280 : vector<1x1x16xf32> to vector<16xf32>
        %swap3A_282 = vector.shape_cast %get3A_274 : vector<16xf32> to vector<1x1x16xf32>
        tpu.vector_store %arg8[%swap3A_277, %swap3A_278, %swap3A_279], %swap3A_282 {add = true, strides = array<i32>} : memref<3x400x64xf32, #tpu.memory_space<vmem>>, vector<1x1x16xf32>,
        %add3A_283 = arith.constant 200 : i32
        %add3A_284 = arith.addi %add3A_283, %add3A_252 : i32
        %swap3A_285 = arith.index_cast %select_n3A_137 : i32 to index
        %swap3A_286 = arith.index_cast %add3A_284 : i32 to index
        %swap3A_287 = arith.constant 16 : index
        %swap3A_288 = tpu.vector_load %arg8[%swap3A_285, %swap3A_286, %swap3A_287] {strides = array<i32>} : memref<3x400x64xf32, #tpu.memory_space<vmem>>, vector<1x1x16xf32>,
        %swap3A_289 = vector.shape_cast %swap3A_288 : vector<1x1x16xf32> to vector<16xf32>
        %swap3A_290 = vector.shape_cast %get3A_274 : vector<16xf32> to vector<1x1x16xf32>
        tpu.vector_store %arg8[%swap3A_285, %swap3A_286, %swap3A_287], %swap3A_290 {add = true, strides = array<i32>} : memref<3x400x64xf32, #tpu.memory_space<vmem>>, vector<1x1x16xf32>,
        %get3A_291 = arith.index_cast %add3A_252 : i32 to index
        %get3A_292 = arith.constant 32 : index
        %get3A_293 = tpu.vector_load %arg6[%get3A_291, %get3A_292] {strides = array<i32>} : memref<200x64xf32, #tpu.memory_space<vmem>>, vector<1x16xf32>,
        %get3A_294 = vector.shape_cast %get3A_293 : vector<1x16xf32> to vector<16xf32>
        %add3A_295 = arith.constant 0 : i32
        %add3A_296 = arith.addi %add3A_295, %add3A_252 : i32
        %swap3A_297 = arith.index_cast %select_n3A_137 : i32 to index
        %swap3A_298 = arith.index_cast %add3A_296 : i32 to index
        %swap3A_299 = arith.constant 32 : index
        %swap3A_300 = tpu.vector_load %arg8[%swap3A_297, %swap3A_298, %swap3A_299] {strides = array<i32>} : memref<3x400x64xf32, #tpu.memory_space<vmem>>, vector<1x1x16xf32>,
        %swap3A_301 = vector.shape_cast %swap3A_300 : vector<1x1x16xf32> to vector<16xf32>
        %swap3A_302 = vector.shape_cast %get3A_294 : vector<16xf32> to vector<1x1x16xf32>
        tpu.vector_store %arg8[%swap3A_297, %swap3A_298, %swap3A_299], %swap3A_302 {add = true, strides = array<i32>} : memref<3x400x64xf32, #tpu.memory_space<vmem>>, vector<1x1x16xf32>,
        %add3A_303 = arith.constant 200 : i32
        %add3A_304 = arith.addi %add3A_303, %add3A_252 : i32
        %swap3A_305 = arith.index_cast %select_n3A_137 : i32 to index
        %swap3A_306 = arith.index_cast %add3A_304 : i32 to index
        %swap3A_307 = arith.constant 32 : index
        %swap3A_308 = tpu.vector_load %arg8[%swap3A_305, %swap3A_306, %swap3A_307] {strides = array<i32>} : memref<3x400x64xf32, #tpu.memory_space<vmem>>, vector<1x1x16xf32>,
        %swap3A_309 = vector.shape_cast %swap3A_308 : vector<1x1x16xf32> to vector<16xf32>
        %swap3A_310 = vector.shape_cast %get3A_294 : vector<16xf32> to vector<1x1x16xf32>
        tpu.vector_store %arg8[%swap3A_305, %swap3A_306, %swap3A_307], %swap3A_310 {add = true, strides = array<i32>} : memref<3x400x64xf32, #tpu.memory_space<vmem>>, vector<1x1x16xf32>,
        %get3A_311 = arith.index_cast %add3A_252 : i32 to index
        %get3A_312 = arith.constant 48 : index
        %get3A_313 = tpu.vector_load %arg6[%get3A_311, %get3A_312] {strides = array<i32>} : memref<200x64xf32, #tpu.memory_space<vmem>>, vector<1x16xf32>,
        %get3A_314 = vector.shape_cast %get3A_313 : vector<1x16xf32> to vector<16xf32>
        %add3A_315 = arith.constant 0 : i32
        %add3A_316 = arith.addi %add3A_315, %add3A_252 : i32
        %swap3A_317 = arith.index_cast %select_n3A_137 : i32 to index
        %swap3A_318 = arith.index_cast %add3A_316 : i32 to index
        %swap3A_319 = arith.constant 48 : index
        %swap3A_320 = tpu.vector_load %arg8[%swap3A_317, %swap3A_318, %swap3A_319] {strides = array<i32>} : memref<3x400x64xf32, #tpu.memory_space<vmem>>, vector<1x1x16xf32>,
        %swap3A_321 = vector.shape_cast %swap3A_320 : vector<1x1x16xf32> to vector<16xf32>
        %swap3A_322 = vector.shape_cast %get3A_314 : vector<16xf32> to vector<1x1x16xf32>
        tpu.vector_store %arg8[%swap3A_317, %swap3A_318, %swap3A_319], %swap3A_322 {add = true, strides = array<i32>} : memref<3x400x64xf32, #tpu.memory_space<vmem>>, vector<1x1x16xf32>,
        %add3A_323 = arith.constant 200 : i32
        %add3A_324 = arith.addi %add3A_323, %add3A_252 : i32
        %swap3A_325 = arith.index_cast %select_n3A_137 : i32 to index
        %swap3A_326 = arith.index_cast %add3A_324 : i32 to index
        %swap3A_327 = arith.constant 48 : index
        %swap3A_328 = tpu.vector_load %arg8[%swap3A_325, %swap3A_326, %swap3A_327] {strides = array<i32>} : memref<3x400x64xf32, #tpu.memory_space<vmem>>, vector<1x1x16xf32>,
        %swap3A_329 = vector.shape_cast %swap3A_328 : vector<1x1x16xf32> to vector<16xf32>
        %swap3A_330 = vector.shape_cast %get3A_314 : vector<16xf32> to vector<1x1x16xf32>
        tpu.vector_store %arg8[%swap3A_325, %swap3A_326, %swap3A_327], %swap3A_330 {add = true, strides = array<i32>} : memref<3x400x64xf32, #tpu.memory_space<vmem>>, vector<1x1x16xf32>,
        %add3A_331 = arith.constant 1 : i32
        %add3A_332 = arith.addi %mul3A_250, %add3A_331 : i32
        %get3A_333 = arith.index_cast %add3A_332 : i32 to index
        %get3A_334 = arith.constant 0 : index
        %get3A_335 = tpu.vector_load %arg6[%get3A_333, %get3A_334] {strides = array<i32>} : memref<200x64xf32, #tpu.memory_space<vmem>>, vector<1x16xf32>,
        %get3A_336 = vector.shape_cast %get3A_335 : vector<1x16xf32> to vector<16xf32>
        %add3A_337 = arith.constant 0 : i32
        %add3A_338 = arith.addi %add3A_337, %add3A_332 : i32
        %swap3A_339 = arith.index_cast %select_n3A_137 : i32 to index
        %swap3A_340 = arith.index_cast %add3A_338 : i32 to index
        %swap3A_341 = arith.constant 0 : index
        %swap3A_342 = tpu.vector_load %arg8[%swap3A_339, %swap3A_340, %swap3A_341] {strides = array<i32>} : memref<3x400x64xf32, #tpu.memory_space<vmem>>, vector<1x1x16xf32>,
        %swap3A_343 = vector.shape_cast %swap3A_342 : vector<1x1x16xf32> to vector<16xf32>
        %swap3A_344 = vector.shape_cast %get3A_336 : vector<16xf32> to vector<1x1x16xf32>
        tpu.vector_store %arg8[%swap3A_339, %swap3A_340, %swap3A_341], %swap3A_344 {add = true, strides = array<i32>} : memref<3x400x64xf32, #tpu.memory_space<vmem>>, vector<1x1x16xf32>,
        %add3A_345 = arith.constant 200 : i32
        %add3A_346 = arith.addi %add3A_345, %add3A_332 : i32
        %swap3A_347 = arith.index_cast %select_n3A_137 : i32 to index
        %swap3A_348 = arith.index_cast %add3A_346 : i32 to index
        %swap3A_349 = arith.constant 0 : index
        %swap3A_350 = tpu.vector_load %arg8[%swap3A_347, %swap3A_348, %swap3A_349] {strides = array<i32>} : memref<3x400x64xf32, #tpu.memory_space<vmem>>, vector<1x1x16xf32>,
        %swap3A_351 = vector.shape_cast %swap3A_350 : vector<1x1x16xf32> to vector<16xf32>
        %swap3A_352 = vector.shape_cast %get3A_336 : vector<16xf32> to vector<1x1x16xf32>
        tpu.vector_store %arg8[%swap3A_347, %swap3A_348, %swap3A_349], %swap3A_352 {add = true, strides = array<i32>} : memref<3x400x64xf32, #tpu.memory_space<vmem>>, vector<1x1x16xf32>,
        %get3A_353 = arith.index_cast %add3A_332 : i32 to index
        %get3A_354 = arith.constant 16 : index
        %get3A_355 = tpu.vector_load %arg6[%get3A_353, %get3A_354] {strides = array<i32>} : memref<200x64xf32, #tpu.memory_space<vmem>>, vector<1x16xf32>,
        %get3A_356 = vector.shape_cast %get3A_355 : vector<1x16xf32> to vector<16xf32>
        %add3A_357 = arith.constant 0 : i32
        %add3A_358 = arith.addi %add3A_357, %add3A_332 : i32
        %swap3A_359 = arith.index_cast %select_n3A_137 : i32 to index
        %swap3A_360 = arith.index_cast %add3A_358 : i32 to index
        %swap3A_361 = arith.constant 16 : index
        %swap3A_362 = tpu.vector_load %arg8[%swap3A_359, %swap3A_360, %swap3A_361] {strides = array<i32>} : memref<3x400x64xf32, #tpu.memory_space<vmem>>, vector<1x1x16xf32>,
        %swap3A_363 = vector.shape_cast %swap3A_362 : vector<1x1x16xf32> to vector<16xf32>
        %swap3A_364 = vector.shape_cast %get3A_356 : vector<16xf32> to vector<1x1x16xf32>
        tpu.vector_store %arg8[%swap3A_359, %swap3A_360, %swap3A_361], %swap3A_364 {add = true, strides = array<i32>} : memref<3x400x64xf32, #tpu.memory_space<vmem>>, vector<1x1x16xf32>,
        %add3A_365 = arith.constant 200 : i32
        %add3A_366 = arith.addi %add3A_365, %add3A_332 : i32
        %swap3A_367 = arith.index_cast %select_n3A_137 : i32 to index
        %swap3A_368 = arith.index_cast %add3A_366 : i32 to index
        %swap3A_369 = arith.constant 16 : index
        %swap3A_370 = tpu.vector_load %arg8[%swap3A_367, %swap3A_368, %swap3A_369] {strides = array<i32>} : memref<3x400x64xf32, #tpu.memory_space<vmem>>, vector<1x1x16xf32>,
        %swap3A_371 = vector.shape_cast %swap3A_370 : vector<1x1x16xf32> to vector<16xf32>
        %swap3A_372 = vector.shape_cast %get3A_356 : vector<16xf32> to vector<1x1x16xf32>
        tpu.vector_store %arg8[%swap3A_367, %swap3A_368, %swap3A_369], %swap3A_372 {add = true, strides = array<i32>} : memref<3x400x64xf32, #tpu.memory_space<vmem>>, vector<1x1x16xf32>,
        %get3A_373 = arith.index_cast %add3A_332 : i32 to index
        %get3A_374 = arith.constant 32 : index
        %get3A_375 = tpu.vector_load %arg6[%get3A_373, %get3A_374] {strides = array<i32>} : memref<200x64xf32, #tpu.memory_space<vmem>>, vector<1x16xf32>,
        %get3A_376 = vector.shape_cast %get3A_375 : vector<1x16xf32> to vector<16xf32>
        %add3A_377 = arith.constant 0 : i32
        %add3A_378 = arith.addi %add3A_377, %add3A_332 : i32
        %swap3A_379 = arith.index_cast %select_n3A_137 : i32 to index
        %swap3A_380 = arith.index_cast %add3A_378 : i32 to index
        %swap3A_381 = arith.constant 32 : index
        %swap3A_382 = tpu.vector_load %arg8[%swap3A_379, %swap3A_380, %swap3A_381] {strides = array<i32>} : memref<3x400x64xf32, #tpu.memory_space<vmem>>, vector<1x1x16xf32>,
        %swap3A_383 = vector.shape_cast %swap3A_382 : vector<1x1x16xf32> to vector<16xf32>
        %swap3A_384 = vector.shape_cast %get3A_376 : vector<16xf32> to vector<1x1x16xf32>
        tpu.vector_store %arg8[%swap3A_379, %swap3A_380, %swap3A_381], %swap3A_384 {add = true, strides = array<i32>} : memref<3x400x64xf32, #tpu.memory_space<vmem>>, vector<1x1x16xf32>,
        %add3A_385 = arith.constant 200 : i32
        %add3A_386 = arith.addi %add3A_385, %add3A_332 : i32
        %swap3A_387 = arith.index_cast %select_n3A_137 : i32 to index
        %swap3A_388 = arith.index_cast %add3A_386 : i32 to index
        %swap3A_389 = arith.constant 32 : index
        %swap3A_390 = tpu.vector_load %arg8[%swap3A_387, %swap3A_388, %swap3A_389] {strides = array<i32>} : memref<3x400x64xf32, #tpu.memory_space<vmem>>, vector<1x1x16xf32>,
        %swap3A_391 = vector.shape_cast %swap3A_390 : vector<1x1x16xf32> to vector<16xf32>
        %swap3A_392 = vector.shape_cast %get3A_376 : vector<16xf32> to vector<1x1x16xf32>
        tpu.vector_store %arg8[%swap3A_387, %swap3A_388, %swap3A_389], %swap3A_392 {add = true, strides = array<i32>} : memref<3x400x64xf32, #tpu.memory_space<vmem>>, vector<1x1x16xf32>,
        %get3A_393 = arith.index_cast %add3A_332 : i32 to index
        %get3A_394 = arith.constant 48 : index
        %get3A_395 = tpu.vector_load %arg6[%get3A_393, %get3A_394] {strides = array<i32>} : memref<200x64xf32, #tpu.memory_space<vmem>>, vector<1x16xf32>,
        %get3A_396 = vector.shape_cast %get3A_395 : vector<1x16xf32> to vector<16xf32>
        %add3A_397 = arith.constant 0 : i32
        %add3A_398 = arith.addi %add3A_397, %add3A_332 : i32
        %swap3A_399 = arith.index_cast %select_n3A_137 : i32 to index
        %swap3A_400 = arith.index_cast %add3A_398 : i32 to index
        %swap3A_401 = arith.constant 48 : index
        %swap3A_402 = tpu.vector_load %arg8[%swap3A_399, %swap3A_400, %swap3A_401] {strides = array<i32>} : memref<3x400x64xf32, #tpu.memory_space<vmem>>, vector<1x1x16xf32>,
        %swap3A_403 = vector.shape_cast %swap3A_402 : vector<1x1x16xf32> to vector<16xf32>
        %swap3A_404 = vector.shape_cast %get3A_396 : vector<16xf32> to vector<1x1x16xf32>
        tpu.vector_store %arg8[%swap3A_399, %swap3A_400, %swap3A_401], %swap3A_404 {add = true, strides = array<i32>} : memref<3x400x64xf32, #tpu.memory_space<vmem>>, vector<1x1x16xf32>,
        %add3A_405 = arith.constant 200 : i32
        %add3A_406 = arith.addi %add3A_405, %add3A_332 : i32
        %swap3A_407 = arith.index_cast %select_n3A_137 : i32 to index
        %swap3A_408 = arith.index_cast %add3A_406 : i32 to index
        %swap3A_409 = arith.constant 48 : index
        %swap3A_410 = tpu.vector_load %arg8[%swap3A_407, %swap3A_408, %swap3A_409] {strides = array<i32>} : memref<3x400x64xf32, #tpu.memory_space<vmem>>, vector<1x1x16xf32>,
        %swap3A_411 = vector.shape_cast %swap3A_410 : vector<1x1x16xf32> to vector<16xf32>
        %swap3A_412 = vector.shape_cast %get3A_396 : vector<16xf32> to vector<1x1x16xf32>
        tpu.vector_store %arg8[%swap3A_407, %swap3A_408, %swap3A_409], %swap3A_412 {add = true, strides = array<i32>} : memref<3x400x64xf32, #tpu.memory_space<vmem>>, vector<1x1x16xf32>,
        %add3A_413 = arith.constant 2 : i32
        %add3A_414 = arith.addi %mul3A_250, %add3A_413 : i32
        %get3A_415 = arith.index_cast %add3A_414 : i32 to index
        %get3A_416 = arith.constant 0 : index
        %get3A_417 = tpu.vector_load %arg6[%get3A_415, %get3A_416] {strides = array<i32>} : memref<200x64xf32, #tpu.memory_space<vmem>>, vector<1x16xf32>,
        %get3A_418 = vector.shape_cast %get3A_417 : vector<1x16xf32> to vector<16xf32>
        %add3A_419 = arith.constant 0 : i32
        %add3A_420 = arith.addi %add3A_419, %add3A_414 : i32
        %swap3A_421 = arith.index_cast %select_n3A_137 : i32 to index
        %swap3A_422 = arith.index_cast %add3A_420 : i32 to index
        %swap3A_423 = arith.constant 0 : index
        %swap3A_424 = tpu.vector_load %arg8[%swap3A_421, %swap3A_422, %swap3A_423] {strides = array<i32>} : memref<3x400x64xf32, #tpu.memory_space<vmem>>, vector<1x1x16xf32>,
        %swap3A_425 = vector.shape_cast %swap3A_424 : vector<1x1x16xf32> to vector<16xf32>
        %swap3A_426 = vector.shape_cast %get3A_418 : vector<16xf32> to vector<1x1x16xf32>
        tpu.vector_store %arg8[%swap3A_421, %swap3A_422, %swap3A_423], %swap3A_426 {add = true, strides = array<i32>} : memref<3x400x64xf32, #tpu.memory_space<vmem>>, vector<1x1x16xf32>,
        %add3A_427 = arith.constant 200 : i32
        %add3A_428 = arith.addi %add3A_427, %add3A_414 : i32
        %swap3A_429 = arith.index_cast %select_n3A_137 : i32 to index
        %swap3A_430 = arith.index_cast %add3A_428 : i32 to index
        %swap3A_431 = arith.constant 0 : index
        %swap3A_432 = tpu.vector_load %arg8[%swap3A_429, %swap3A_430, %swap3A_431] {strides = array<i32>} : memref<3x400x64xf32, #tpu.memory_space<vmem>>, vector<1x1x16xf32>,
        %swap3A_433 = vector.shape_cast %swap3A_432 : vector<1x1x16xf32> to vector<16xf32>
        %swap3A_434 = vector.shape_cast %get3A_418 : vector<16xf32> to vector<1x1x16xf32>
        tpu.vector_store %arg8[%swap3A_429, %swap3A_430, %swap3A_431], %swap3A_434 {add = true, strides = array<i32>} : memref<3x400x64xf32, #tpu.memory_space<vmem>>, vector<1x1x16xf32>,
        %get3A_435 = arith.index_cast %add3A_414 : i32 to index
        %get3A_436 = arith.constant 16 : index
        %get3A_437 = tpu.vector_load %arg6[%get3A_435, %get3A_436] {strides = array<i32>} : memref<200x64xf32, #tpu.memory_space<vmem>>, vector<1x16xf32>,
        %get3A_438 = vector.shape_cast %get3A_437 : vector<1x16xf32> to vector<16xf32>
        %add3A_439 = arith.constant 0 : i32
        %add3A_440 = arith.addi %add3A_439, %add3A_414 : i32
        %swap3A_441 = arith.index_cast %select_n3A_137 : i32 to index
        %swap3A_442 = arith.index_cast %add3A_440 : i32 to index
        %swap3A_443 = arith.constant 16 : index
        %swap3A_444 = tpu.vector_load %arg8[%swap3A_441, %swap3A_442, %swap3A_443] {strides = array<i32>} : memref<3x400x64xf32, #tpu.memory_space<vmem>>, vector<1x1x16xf32>,
        %swap3A_445 = vector.shape_cast %swap3A_444 : vector<1x1x16xf32> to vector<16xf32>
        %swap3A_446 = vector.shape_cast %get3A_438 : vector<16xf32> to vector<1x1x16xf32>
        tpu.vector_store %arg8[%swap3A_441, %swap3A_442, %swap3A_443], %swap3A_446 {add = true, strides = array<i32>} : memref<3x400x64xf32, #tpu.memory_space<vmem>>, vector<1x1x16xf32>,
        %add3A_447 = arith.constant 200 : i32
        %add3A_448 = arith.addi %add3A_447, %add3A_414 : i32
        %swap3A_449 = arith.index_cast %select_n3A_137 : i32 to index
        %swap3A_450 = arith.index_cast %add3A_448 : i32 to index
        %swap3A_451 = arith.constant 16 : index
        %swap3A_452 = tpu.vector_load %arg8[%swap3A_449, %swap3A_450, %swap3A_451] {strides = array<i32>} : memref<3x400x64xf32, #tpu.memory_space<vmem>>, vector<1x1x16xf32>,
        %swap3A_453 = vector.shape_cast %swap3A_452 : vector<1x1x16xf32> to vector<16xf32>
        %swap3A_454 = vector.shape_cast %get3A_438 : vector<16xf32> to vector<1x1x16xf32>
        tpu.vector_store %arg8[%swap3A_449, %swap3A_450, %swap3A_451], %swap3A_454 {add = true, strides = array<i32>} : memref<3x400x64xf32, #tpu.memory_space<vmem>>, vector<1x1x16xf32>,
        %get3A_455 = arith.index_cast %add3A_414 : i32 to index
        %get3A_456 = arith.constant 32 : index
        %get3A_457 = tpu.vector_load %arg6[%get3A_455, %get3A_456] {strides = array<i32>} : memref<200x64xf32, #tpu.memory_space<vmem>>, vector<1x16xf32>,
        %get3A_458 = vector.shape_cast %get3A_457 : vector<1x16xf32> to vector<16xf32>
        %add3A_459 = arith.constant 0 : i32
        %add3A_460 = arith.addi %add3A_459, %add3A_414 : i32
        %swap3A_461 = arith.index_cast %select_n3A_137 : i32 to index
        %swap3A_462 = arith.index_cast %add3A_460 : i32 to index
        %swap3A_463 = arith.constant 32 : index
        %swap3A_464 = tpu.vector_load %arg8[%swap3A_461, %swap3A_462, %swap3A_463] {strides = array<i32>} : memref<3x400x64xf32, #tpu.memory_space<vmem>>, vector<1x1x16xf32>,
        %swap3A_465 = vector.shape_cast %swap3A_464 : vector<1x1x16xf32> to vector<16xf32>
        %swap3A_466 = vector.shape_cast %get3A_458 : vector<16xf32> to vector<1x1x16xf32>
        tpu.vector_store %arg8[%swap3A_461, %swap3A_462, %swap3A_463], %swap3A_466 {add = true, strides = array<i32>} : memref<3x400x64xf32, #tpu.memory_space<vmem>>, vector<1x1x16xf32>,
        %add3A_467 = arith.constant 200 : i32
        %add3A_468 = arith.addi %add3A_467, %add3A_414 : i32
        %swap3A_469 = arith.index_cast %select_n3A_137 : i32 to index
        %swap3A_470 = arith.index_cast %add3A_468 : i32 to index
        %swap3A_471 = arith.constant 32 : index
        %swap3A_472 = tpu.vector_load %arg8[%swap3A_469, %swap3A_470, %swap3A_471] {strides = array<i32>} : memref<3x400x64xf32, #tpu.memory_space<vmem>>, vector<1x1x16xf32>,
        %swap3A_473 = vector.shape_cast %swap3A_472 : vector<1x1x16xf32> to vector<16xf32>
        %swap3A_474 = vector.shape_cast %get3A_458 : vector<16xf32> to vector<1x1x16xf32>
        tpu.vector_store %arg8[%swap3A_469, %swap3A_470, %swap3A_471], %swap3A_474 {add = true, strides = array<i32>} : memref<3x400x64xf32, #tpu.memory_space<vmem>>, vector<1x1x16xf32>,
        %get3A_475 = arith.index_cast %add3A_414 : i32 to index
        %get3A_476 = arith.constant 48 : index
        %get3A_477 = tpu.vector_load %arg6[%get3A_475, %get3A_476] {strides = array<i32>} : memref<200x64xf32, #tpu.memory_space<vmem>>, vector<1x16xf32>,
        %get3A_478 = vector.shape_cast %get3A_477 : vector<1x16xf32> to vector<16xf32>
        %add3A_479 = arith.constant 0 : i32
        %add3A_480 = arith.addi %add3A_479, %add3A_414 : i32
        %swap3A_481 = arith.index_cast %select_n3A_137 : i32 to index
        %swap3A_482 = arith.index_cast %add3A_480 : i32 to index
        %swap3A_483 = arith.constant 48 : index
        %swap3A_484 = tpu.vector_load %arg8[%swap3A_481, %swap3A_482, %swap3A_483] {strides = array<i32>} : memref<3x400x64xf32, #tpu.memory_space<vmem>>, vector<1x1x16xf32>,
        %swap3A_485 = vector.shape_cast %swap3A_484 : vector<1x1x16xf32> to vector<16xf32>
        %swap3A_486 = vector.shape_cast %get3A_478 : vector<16xf32> to vector<1x1x16xf32>
        tpu.vector_store %arg8[%swap3A_481, %swap3A_482, %swap3A_483], %swap3A_486 {add = true, strides = array<i32>} : memref<3x400x64xf32, #tpu.memory_space<vmem>>, vector<1x1x16xf32>,
        %add3A_487 = arith.constant 200 : i32
        %add3A_488 = arith.addi %add3A_487, %add3A_414 : i32
        %swap3A_489 = arith.index_cast %select_n3A_137 : i32 to index
        %swap3A_490 = arith.index_cast %add3A_488 : i32 to index
        %swap3A_491 = arith.constant 48 : index
        %swap3A_492 = tpu.vector_load %arg8[%swap3A_489, %swap3A_490, %swap3A_491] {strides = array<i32>} : memref<3x400x64xf32, #tpu.memory_space<vmem>>, vector<1x1x16xf32>,
        %swap3A_493 = vector.shape_cast %swap3A_492 : vector<1x1x16xf32> to vector<16xf32>
        %swap3A_494 = vector.shape_cast %get3A_478 : vector<16xf32> to vector<1x1x16xf32>
        tpu.vector_store %arg8[%swap3A_489, %swap3A_490, %swap3A_491], %swap3A_494 {add = true, strides = array<i32>} : memref<3x400x64xf32, #tpu.memory_space<vmem>>, vector<1x1x16xf32>,
        %add3A_495 = arith.constant 3 : i32
        %add3A_496 = arith.addi %mul3A_250, %add3A_495 : i32
        %get3A_497 = arith.index_cast %add3A_496 : i32 to index
        %get3A_498 = arith.constant 0 : index
        %get3A_499 = tpu.vector_load %arg6[%get3A_497, %get3A_498] {strides = array<i32>} : memref<200x64xf32, #tpu.memory_space<vmem>>, vector<1x16xf32>,
        %get3A_500 = vector.shape_cast %get3A_499 : vector<1x16xf32> to vector<16xf32>
        %add3A_501 = arith.constant 0 : i32
        %add3A_502 = arith.addi %add3A_501, %add3A_496 : i32
        %swap3A_503 = arith.index_cast %select_n3A_137 : i32 to index
        %swap3A_504 = arith.index_cast %add3A_502 : i32 to index
        %swap3A_505 = arith.constant 0 : index
        %swap3A_506 = tpu.vector_load %arg8[%swap3A_503, %swap3A_504, %swap3A_505] {strides = array<i32>} : memref<3x400x64xf32, #tpu.memory_space<vmem>>, vector<1x1x16xf32>,
        %swap3A_507 = vector.shape_cast %swap3A_506 : vector<1x1x16xf32> to vector<16xf32>
        %swap3A_508 = vector.shape_cast %get3A_500 : vector<16xf32> to vector<1x1x16xf32>
        tpu.vector_store %arg8[%swap3A_503, %swap3A_504, %swap3A_505], %swap3A_508 {add = true, strides = array<i32>} : memref<3x400x64xf32, #tpu.memory_space<vmem>>, vector<1x1x16xf32>,
        %add3A_509 = arith.constant 200 : i32
        %add3A_510 = arith.addi %add3A_509, %add3A_496 : i32
        %swap3A_511 = arith.index_cast %select_n3A_137 : i32 to index
        %swap3A_512 = arith.index_cast %add3A_510 : i32 to index
        %swap3A_513 = arith.constant 0 : index
        %swap3A_514 = tpu.vector_load %arg8[%swap3A_511, %swap3A_512, %swap3A_513] {strides = array<i32>} : memref<3x400x64xf32, #tpu.memory_space<vmem>>, vector<1x1x16xf32>,
        %swap3A_515 = vector.shape_cast %swap3A_514 : vector<1x1x16xf32> to vector<16xf32>
        %swap3A_516 = vector.shape_cast %get3A_500 : vector<16xf32> to vector<1x1x16xf32>
        tpu.vector_store %arg8[%swap3A_511, %swap3A_512, %swap3A_513], %swap3A_516 {add = true, strides = array<i32>} : memref<3x400x64xf32, #tpu.memory_space<vmem>>, vector<1x1x16xf32>,
        %get3A_517 = arith.index_cast %add3A_496 : i32 to index
        %get3A_518 = arith.constant 16 : index
        %get3A_519 = tpu.vector_load %arg6[%get3A_517, %get3A_518] {strides = array<i32>} : memref<200x64xf32, #tpu.memory_space<vmem>>, vector<1x16xf32>,
        %get3A_520 = vector.shape_cast %get3A_519 : vector<1x16xf32> to vector<16xf32>
        %add3A_521 = arith.constant 0 : i32
        %add3A_522 = arith.addi %add3A_521, %add3A_496 : i32
        %swap3A_523 = arith.index_cast %select_n3A_137 : i32 to index
        %swap3A_524 = arith.index_cast %add3A_522 : i32 to index
        %swap3A_525 = arith.constant 16 : index
        %swap3A_526 = tpu.vector_load %arg8[%swap3A_523, %swap3A_524, %swap3A_525] {strides = array<i32>} : memref<3x400x64xf32, #tpu.memory_space<vmem>>, vector<1x1x16xf32>,
        %swap3A_527 = vector.shape_cast %swap3A_526 : vector<1x1x16xf32> to vector<16xf32>
        %swap3A_528 = vector.shape_cast %get3A_520 : vector<16xf32> to vector<1x1x16xf32>
        tpu.vector_store %arg8[%swap3A_523, %swap3A_524, %swap3A_525], %swap3A_528 {add = true, strides = array<i32>} : memref<3x400x64xf32, #tpu.memory_space<vmem>>, vector<1x1x16xf32>,
        %add3A_529 = arith.constant 200 : i32
        %add3A_530 = arith.addi %add3A_529, %add3A_496 : i32
        %swap3A_531 = arith.index_cast %select_n3A_137 : i32 to index
        %swap3A_532 = arith.index_cast %add3A_530 : i32 to index
        %swap3A_533 = arith.constant 16 : index
        %swap3A_534 = tpu.vector_load %arg8[%swap3A_531, %swap3A_532, %swap3A_533] {strides = array<i32>} : memref<3x400x64xf32, #tpu.memory_space<vmem>>, vector<1x1x16xf32>,
        %swap3A_535 = vector.shape_cast %swap3A_534 : vector<1x1x16xf32> to vector<16xf32>
        %swap3A_536 = vector.shape_cast %get3A_520 : vector<16xf32> to vector<1x1x16xf32>
        tpu.vector_store %arg8[%swap3A_531, %swap3A_532, %swap3A_533], %swap3A_536 {add = true, strides = array<i32>} : memref<3x400x64xf32, #tpu.memory_space<vmem>>, vector<1x1x16xf32>,
        %get3A_537 = arith.index_cast %add3A_496 : i32 to index
        %get3A_538 = arith.constant 32 : index
        %get3A_539 = tpu.vector_load %arg6[%get3A_537, %get3A_538] {strides = array<i32>} : memref<200x64xf32, #tpu.memory_space<vmem>>, vector<1x16xf32>,
        %get3A_540 = vector.shape_cast %get3A_539 : vector<1x16xf32> to vector<16xf32>
        %add3A_541 = arith.constant 0 : i32
        %add3A_542 = arith.addi %add3A_541, %add3A_496 : i32
        %swap3A_543 = arith.index_cast %select_n3A_137 : i32 to index
        %swap3A_544 = arith.index_cast %add3A_542 : i32 to index
        %swap3A_545 = arith.constant 32 : index
        %swap3A_546 = tpu.vector_load %arg8[%swap3A_543, %swap3A_544, %swap3A_545] {strides = array<i32>} : memref<3x400x64xf32, #tpu.memory_space<vmem>>, vector<1x1x16xf32>,
        %swap3A_547 = vector.shape_cast %swap3A_546 : vector<1x1x16xf32> to vector<16xf32>
        %swap3A_548 = vector.shape_cast %get3A_540 : vector<16xf32> to vector<1x1x16xf32>
        tpu.vector_store %arg8[%swap3A_543, %swap3A_544, %swap3A_545], %swap3A_548 {add = true, strides = array<i32>} : memref<3x400x64xf32, #tpu.memory_space<vmem>>, vector<1x1x16xf32>,
        %add3A_549 = arith.constant 200 : i32
        %add3A_550 = arith.addi %add3A_549, %add3A_496 : i32
        %swap3A_551 = arith.index_cast %select_n3A_137 : i32 to index
        %swap3A_552 = arith.index_cast %add3A_550 : i32 to index
        %swap3A_553 = arith.constant 32 : index
        %swap3A_554 = tpu.vector_load %arg8[%swap3A_551, %swap3A_552, %swap3A_553] {strides = array<i32>} : memref<3x400x64xf32, #tpu.memory_space<vmem>>, vector<1x1x16xf32>,
        %swap3A_555 = vector.shape_cast %swap3A_554 : vector<1x1x16xf32> to vector<16xf32>
        %swap3A_556 = vector.shape_cast %get3A_540 : vector<16xf32> to vector<1x1x16xf32>
        tpu.vector_store %arg8[%swap3A_551, %swap3A_552, %swap3A_553], %swap3A_556 {add = true, strides = array<i32>} : memref<3x400x64xf32, #tpu.memory_space<vmem>>, vector<1x1x16xf32>,
        %get3A_557 = arith.index_cast %add3A_496 : i32 to index
        %get3A_558 = arith.constant 48 : index
        %get3A_559 = tpu.vector_load %arg6[%get3A_557, %get3A_558] {strides = array<i32>} : memref<200x64xf32, #tpu.memory_space<vmem>>, vector<1x16xf32>,
        %get3A_560 = vector.shape_cast %get3A_559 : vector<1x16xf32> to vector<16xf32>
        %add3A_561 = arith.constant 0 : i32
        %add3A_562 = arith.addi %add3A_561, %add3A_496 : i32
        %swap3A_563 = arith.index_cast %select_n3A_137 : i32 to index
        %swap3A_564 = arith.index_cast %add3A_562 : i32 to index
        %swap3A_565 = arith.constant 48 : index
        %swap3A_566 = tpu.vector_load %arg8[%swap3A_563, %swap3A_564, %swap3A_565] {strides = array<i32>} : memref<3x400x64xf32, #tpu.memory_space<vmem>>, vector<1x1x16xf32>,
        %swap3A_567 = vector.shape_cast %swap3A_566 : vector<1x1x16xf32> to vector<16xf32>
        %swap3A_568 = vector.shape_cast %get3A_560 : vector<16xf32> to vector<1x1x16xf32>
        tpu.vector_store %arg8[%swap3A_563, %swap3A_564, %swap3A_565], %swap3A_568 {add = true, strides = array<i32>} : memref<3x400x64xf32, #tpu.memory_space<vmem>>, vector<1x1x16xf32>,
        %add3A_569 = arith.constant 200 : i32
        %add3A_570 = arith.addi %add3A_569, %add3A_496 : i32
        %swap3A_571 = arith.index_cast %select_n3A_137 : i32 to index
        %swap3A_572 = arith.index_cast %add3A_570 : i32 to index
        %swap3A_573 = arith.constant 48 : index
        %swap3A_574 = tpu.vector_load %arg8[%swap3A_571, %swap3A_572, %swap3A_573] {strides = array<i32>} : memref<3x400x64xf32, #tpu.memory_space<vmem>>, vector<1x1x16xf32>,
        %swap3A_575 = vector.shape_cast %swap3A_574 : vector<1x1x16xf32> to vector<16xf32>
        %swap3A_576 = vector.shape_cast %get3A_560 : vector<16xf32> to vector<1x1x16xf32>
        tpu.vector_store %arg8[%swap3A_571, %swap3A_572, %swap3A_573], %swap3A_576 {add = true, strides = array<i32>} : memref<3x400x64xf32, #tpu.memory_space<vmem>>, vector<1x1x16xf32>,
        %scan3A_577 = arith.constant 1 : i32
        %scan3A_578 = arith.addi %scan3A_248, %scan3A_577 : i32
        %mul3A_579 = arith.constant 4 : i32
        %mul3A_580 = arith.muli %scan3A_578, %mul3A_579 : i32
        %add3A_581 = arith.constant 0 : i32
        %add3A_582 = arith.addi %mul3A_580, %add3A_581 : i32
        %get3A_583 = arith.index_cast %add3A_582 : i32 to index
        %get3A_584 = arith.constant 0 : index
        %get3A_585 = tpu.vector_load %arg6[%get3A_583, %get3A_584] {strides = array<i32>} : memref<200x64xf32, #tpu.memory_space<vmem>>, vector<1x16xf32>,
        %get3A_586 = vector.shape_cast %get3A_585 : vector<1x16xf32> to vector<16xf32>
        %add3A_587 = arith.constant 0 : i32
        %add3A_588 = arith.addi %add3A_587, %add3A_582 : i32
        %swap3A_589 = arith.index_cast %select_n3A_137 : i32 to index
        %swap3A_590 = arith.index_cast %add3A_588 : i32 to index
        %swap3A_591 = arith.constant 0 : index
        %swap3A_592 = tpu.vector_load %arg8[%swap3A_589, %swap3A_590, %swap3A_591] {strides = array<i32>} : memref<3x400x64xf32, #tpu.memory_space<vmem>>, vector<1x1x16xf32>,
        %swap3A_593 = vector.shape_cast %swap3A_592 : vector<1x1x16xf32> to vector<16xf32>
        %swap3A_594 = vector.shape_cast %get3A_586 : vector<16xf32> to vector<1x1x16xf32>
        tpu.vector_store %arg8[%swap3A_589, %swap3A_590, %swap3A_591], %swap3A_594 {add = true, strides = array<i32>} : memref<3x400x64xf32, #tpu.memory_space<vmem>>, vector<1x1x16xf32>,
        %add3A_595 = arith.constant 200 : i32
        %add3A_596 = arith.addi %add3A_595, %add3A_582 : i32
        %swap3A_597 = arith.index_cast %select_n3A_137 : i32 to index
        %swap3A_598 = arith.index_cast %add3A_596 : i32 to index
        %swap3A_599 = arith.constant 0 : index
        %swap3A_600 = tpu.vector_load %arg8[%swap3A_597, %swap3A_598, %swap3A_599] {strides = array<i32>} : memref<3x400x64xf32, #tpu.memory_space<vmem>>, vector<1x1x16xf32>,
        %swap3A_601 = vector.shape_cast %swap3A_600 : vector<1x1x16xf32> to vector<16xf32>
        %swap3A_602 = vector.shape_cast %get3A_586 : vector<16xf32> to vector<1x1x16xf32>
        tpu.vector_store %arg8[%swap3A_597, %swap3A_598, %swap3A_599], %swap3A_602 {add = true, strides = array<i32>} : memref<3x400x64xf32, #tpu.memory_space<vmem>>, vector<1x1x16xf32>,
        %get3A_603 = arith.index_cast %add3A_582 : i32 to index
        %get3A_604 = arith.constant 16 : index
        %get3A_605 = tpu.vector_load %arg6[%get3A_603, %get3A_604] {strides = array<i32>} : memref<200x64xf32, #tpu.memory_space<vmem>>, vector<1x16xf32>,
        %get3A_606 = vector.shape_cast %get3A_605 : vector<1x16xf32> to vector<16xf32>
        %add3A_607 = arith.constant 0 : i32
        %add3A_608 = arith.addi %add3A_607, %add3A_582 : i32
        %swap3A_609 = arith.index_cast %select_n3A_137 : i32 to index
        %swap3A_610 = arith.index_cast %add3A_608 : i32 to index
        %swap3A_611 = arith.constant 16 : index
        %swap3A_612 = tpu.vector_load %arg8[%swap3A_609, %swap3A_610, %swap3A_611] {strides = array<i32>} : memref<3x400x64xf32, #tpu.memory_space<vmem>>, vector<1x1x16xf32>,
        %swap3A_613 = vector.shape_cast %swap3A_612 : vector<1x1x16xf32> to vector<16xf32>
        %swap3A_614 = vector.shape_cast %get3A_606 : vector<16xf32> to vector<1x1x16xf32>
        tpu.vector_store %arg8[%swap3A_609, %swap3A_610, %swap3A_611], %swap3A_614 {add = true, strides = array<i32>} : memref<3x400x64xf32, #tpu.memory_space<vmem>>, vector<1x1x16xf32>,
        %add3A_615 = arith.constant 200 : i32
        %add3A_616 = arith.addi %add3A_615, %add3A_582 : i32
        %swap3A_617 = arith.index_cast %select_n3A_137 : i32 to index
        %swap3A_618 = arith.index_cast %add3A_616 : i32 to index
        %swap3A_619 = arith.constant 16 : index
        %swap3A_620 = tpu.vector_load %arg8[%swap3A_617, %swap3A_618, %swap3A_619] {strides = array<i32>} : memref<3x400x64xf32, #tpu.memory_space<vmem>>, vector<1x1x16xf32>,
        %swap3A_621 = vector.shape_cast %swap3A_620 : vector<1x1x16xf32> to vector<16xf32>
        %swap3A_622 = vector.shape_cast %get3A_606 : vector<16xf32> to vector<1x1x16xf32>
        tpu.vector_store %arg8[%swap3A_617, %swap3A_618, %swap3A_619], %swap3A_622 {add = true, strides = array<i32>} : memref<3x400x64xf32, #tpu.memory_space<vmem>>, vector<1x1x16xf32>,
        %get3A_623 = arith.index_cast %add3A_582 : i32 to index
        %get3A_624 = arith.constant 32 : index
        %get3A_625 = tpu.vector_load %arg6[%get3A_623, %get3A_624] {strides = array<i32>} : memref<200x64xf32, #tpu.memory_space<vmem>>, vector<1x16xf32>,
        %get3A_626 = vector.shape_cast %get3A_625 : vector<1x16xf32> to vector<16xf32>
        %add3A_627 = arith.constant 0 : i32
        %add3A_628 = arith.addi %add3A_627, %add3A_582 : i32
        %swap3A_629 = arith.index_cast %select_n3A_137 : i32 to index
        %swap3A_630 = arith.index_cast %add3A_628 : i32 to index
        %swap3A_631 = arith.constant 32 : index
        %swap3A_632 = tpu.vector_load %arg8[%swap3A_629, %swap3A_630, %swap3A_631] {strides = array<i32>} : memref<3x400x64xf32, #tpu.memory_space<vmem>>, vector<1x1x16xf32>,
        %swap3A_633 = vector.shape_cast %swap3A_632 : vector<1x1x16xf32> to vector<16xf32>
        %swap3A_634 = vector.shape_cast %get3A_626 : vector<16xf32> to vector<1x1x16xf32>
        tpu.vector_store %arg8[%swap3A_629, %swap3A_630, %swap3A_631], %swap3A_634 {add = true, strides = array<i32>} : memref<3x400x64xf32, #tpu.memory_space<vmem>>, vector<1x1x16xf32>,
        %add3A_635 = arith.constant 200 : i32
        %add3A_636 = arith.addi %add3A_635, %add3A_582 : i32
        %swap3A_637 = arith.index_cast %select_n3A_137 : i32 to index
        %swap3A_638 = arith.index_cast %add3A_636 : i32 to index
        %swap3A_639 = arith.constant 32 : index
        %swap3A_640 = tpu.vector_load %arg8[%swap3A_637, %swap3A_638, %swap3A_639] {strides = array<i32>} : memref<3x400x64xf32, #tpu.memory_space<vmem>>, vector<1x1x16xf32>,
        %swap3A_641 = vector.shape_cast %swap3A_640 : vector<1x1x16xf32> to vector<16xf32>
        %swap3A_642 = vector.shape_cast %get3A_626 : vector<16xf32> to vector<1x1x16xf32>
        tpu.vector_store %arg8[%swap3A_637, %swap3A_638, %swap3A_639], %swap3A_642 {add = true, strides = array<i32>} : memref<3x400x64xf32, #tpu.memory_space<vmem>>, vector<1x1x16xf32>,
        %get3A_643 = arith.index_cast %add3A_582 : i32 to index
        %get3A_644 = arith.constant 48 : index
        %get3A_645 = tpu.vector_load %arg6[%get3A_643, %get3A_644] {strides = array<i32>} : memref<200x64xf32, #tpu.memory_space<vmem>>, vector<1x16xf32>,
        %get3A_646 = vector.shape_cast %get3A_645 : vector<1x16xf32> to vector<16xf32>
        %add3A_647 = arith.constant 0 : i32
        %add3A_648 = arith.addi %add3A_647, %add3A_582 : i32
        %swap3A_649 = arith.index_cast %select_n3A_137 : i32 to index
        %swap3A_650 = arith.index_cast %add3A_648 : i32 to index
        %swap3A_651 = arith.constant 48 : index
        %swap3A_652 = tpu.vector_load %arg8[%swap3A_649, %swap3A_650, %swap3A_651] {strides = array<i32>} : memref<3x400x64xf32, #tpu.memory_space<vmem>>, vector<1x1x16xf32>,
        %swap3A_653 = vector.shape_cast %swap3A_652 : vector<1x1x16xf32> to vector<16xf32>
        %swap3A_654 = vector.shape_cast %get3A_646 : vector<16xf32> to vector<1x1x16xf32>
        tpu.vector_store %arg8[%swap3A_649, %swap3A_650, %swap3A_651], %swap3A_654 {add = true, strides = array<i32>} : memref<3x400x64xf32, #tpu.memory_space<vmem>>, vector<1x1x16xf32>,
        %add3A_655 = arith.constant 200 : i32
        %add3A_656 = arith.addi %add3A_655, %add3A_582 : i32
        %swap3A_657 = arith.index_cast %select_n3A_137 : i32 to index
        %swap3A_658 = arith.index_cast %add3A_656 : i32 to index
        %swap3A_659 = arith.constant 48 : index
        %swap3A_660 = tpu.vector_load %arg8[%swap3A_657, %swap3A_658, %swap3A_659] {strides = array<i32>} : memref<3x400x64xf32, #tpu.memory_space<vmem>>, vector<1x1x16xf32>,
        %swap3A_661 = vector.shape_cast %swap3A_660 : vector<1x1x16xf32> to vector<16xf32>
        %swap3A_662 = vector.shape_cast %get3A_646 : vector<16xf32> to vector<1x1x16xf32>
        tpu.vector_store %arg8[%swap3A_657, %swap3A_658, %swap3A_659], %swap3A_662 {add = true, strides = array<i32>} : memref<3x400x64xf32, #tpu.memory_space<vmem>>, vector<1x1x16xf32>,
        %add3A_663 = arith.constant 1 : i32
        %add3A_664 = arith.addi %mul3A_580, %add3A_663 : i32
        %get3A_665 = arith.index_cast %add3A_664 : i32 to index
        %get3A_666 = arith.constant 0 : index
        %get3A_667 = tpu.vector_load %arg6[%get3A_665, %get3A_666] {strides = array<i32>} : memref<200x64xf32, #tpu.memory_space<vmem>>, vector<1x16xf32>,
        %get3A_668 = vector.shape_cast %get3A_667 : vector<1x16xf32> to vector<16xf32>
        %add3A_669 = arith.constant 0 : i32
        %add3A_670 = arith.addi %add3A_669, %add3A_664 : i32
        %swap3A_671 = arith.index_cast %select_n3A_137 : i32 to index
        %swap3A_672 = arith.index_cast %add3A_670 : i32 to index
        %swap3A_673 = arith.constant 0 : index
        %swap3A_674 = tpu.vector_load %arg8[%swap3A_671, %swap3A_672, %swap3A_673] {strides = array<i32>} : memref<3x400x64xf32, #tpu.memory_space<vmem>>, vector<1x1x16xf32>,
        %swap3A_675 = vector.shape_cast %swap3A_674 : vector<1x1x16xf32> to vector<16xf32>
        %swap3A_676 = vector.shape_cast %get3A_668 : vector<16xf32> to vector<1x1x16xf32>
        tpu.vector_store %arg8[%swap3A_671, %swap3A_672, %swap3A_673], %swap3A_676 {add = true, strides = array<i32>} : memref<3x400x64xf32, #tpu.memory_space<vmem>>, vector<1x1x16xf32>,
        %add3A_677 = arith.constant 200 : i32
        %add3A_678 = arith.addi %add3A_677, %add3A_664 : i32
        %swap3A_679 = arith.index_cast %select_n3A_137 : i32 to index
        %swap3A_680 = arith.index_cast %add3A_678 : i32 to index
        %swap3A_681 = arith.constant 0 : index
        %swap3A_682 = tpu.vector_load %arg8[%swap3A_679, %swap3A_680, %swap3A_681] {strides = array<i32>} : memref<3x400x64xf32, #tpu.memory_space<vmem>>, vector<1x1x16xf32>,
        %swap3A_683 = vector.shape_cast %swap3A_682 : vector<1x1x16xf32> to vector<16xf32>
        %swap3A_684 = vector.shape_cast %get3A_668 : vector<16xf32> to vector<1x1x16xf32>
        tpu.vector_store %arg8[%swap3A_679, %swap3A_680, %swap3A_681], %swap3A_684 {add = true, strides = array<i32>} : memref<3x400x64xf32, #tpu.memory_space<vmem>>, vector<1x1x16xf32>,
        %get3A_685 = arith.index_cast %add3A_664 : i32 to index
        %get3A_686 = arith.constant 16 : index
        %get3A_687 = tpu.vector_load %arg6[%get3A_685, %get3A_686] {strides = array<i32>} : memref<200x64xf32, #tpu.memory_space<vmem>>, vector<1x16xf32>,
        %get3A_688 = vector.shape_cast %get3A_687 : vector<1x16xf32> to vector<16xf32>
        %add3A_689 = arith.constant 0 : i32
        %add3A_690 = arith.addi %add3A_689, %add3A_664 : i32
        %swap3A_691 = arith.index_cast %select_n3A_137 : i32 to index
        %swap3A_692 = arith.index_cast %add3A_690 : i32 to index
        %swap3A_693 = arith.constant 16 : index
        %swap3A_694 = tpu.vector_load %arg8[%swap3A_691, %swap3A_692, %swap3A_693] {strides = array<i32>} : memref<3x400x64xf32, #tpu.memory_space<vmem>>, vector<1x1x16xf32>,
        %swap3A_695 = vector.shape_cast %swap3A_694 : vector<1x1x16xf32> to vector<16xf32>
        %swap3A_696 = vector.shape_cast %get3A_688 : vector<16xf32> to vector<1x1x16xf32>
        tpu.vector_store %arg8[%swap3A_691, %swap3A_692, %swap3A_693], %swap3A_696 {add = true, strides = array<i32>} : memref<3x400x64xf32, #tpu.memory_space<vmem>>, vector<1x1x16xf32>,
        %add3A_697 = arith.constant 200 : i32
        %add3A_698 = arith.addi %add3A_697, %add3A_664 : i32
        %swap3A_699 = arith.index_cast %select_n3A_137 : i32 to index
        %swap3A_700 = arith.index_cast %add3A_698 : i32 to index
        %swap3A_701 = arith.constant 16 : index
        %swap3A_702 = tpu.vector_load %arg8[%swap3A_699, %swap3A_700, %swap3A_701] {strides = array<i32>} : memref<3x400x64xf32, #tpu.memory_space<vmem>>, vector<1x1x16xf32>,
        %swap3A_703 = vector.shape_cast %swap3A_702 : vector<1x1x16xf32> to vector<16xf32>
        %swap3A_704 = vector.shape_cast %get3A_688 : vector<16xf32> to vector<1x1x16xf32>
        tpu.vector_store %arg8[%swap3A_699, %swap3A_700, %swap3A_701], %swap3A_704 {add = true, strides = array<i32>} : memref<3x400x64xf32, #tpu.memory_space<vmem>>, vector<1x1x16xf32>,
        %get3A_705 = arith.index_cast %add3A_664 : i32 to index
        %get3A_706 = arith.constant 32 : index
        %get3A_707 = tpu.vector_load %arg6[%get3A_705, %get3A_706] {strides = array<i32>} : memref<200x64xf32, #tpu.memory_space<vmem>>, vector<1x16xf32>,
        %get3A_708 = vector.shape_cast %get3A_707 : vector<1x16xf32> to vector<16xf32>
        %add3A_709 = arith.constant 0 : i32
        %add3A_710 = arith.addi %add3A_709, %add3A_664 : i32
        %swap3A_711 = arith.index_cast %select_n3A_137 : i32 to index
        %swap3A_712 = arith.index_cast %add3A_710 : i32 to index
        %swap3A_713 = arith.constant 32 : index
        %swap3A_714 = tpu.vector_load %arg8[%swap3A_711, %swap3A_712, %swap3A_713] {strides = array<i32>} : memref<3x400x64xf32, #tpu.memory_space<vmem>>, vector<1x1x16xf32>,
        %swap3A_715 = vector.shape_cast %swap3A_714 : vector<1x1x16xf32> to vector<16xf32>
        %swap3A_716 = vector.shape_cast %get3A_708 : vector<16xf32> to vector<1x1x16xf32>
        tpu.vector_store %arg8[%swap3A_711, %swap3A_712, %swap3A_713], %swap3A_716 {add = true, strides = array<i32>} : memref<3x400x64xf32, #tpu.memory_space<vmem>>, vector<1x1x16xf32>,
        %add3A_717 = arith.constant 200 : i32
        %add3A_718 = arith.addi %add3A_717, %add3A_664 : i32
        %swap3A_719 = arith.index_cast %select_n3A_137 : i32 to index
        %swap3A_720 = arith.index_cast %add3A_718 : i32 to index
        %swap3A_721 = arith.constant 32 : index
        %swap3A_722 = tpu.vector_load %arg8[%swap3A_719, %swap3A_720, %swap3A_721] {strides = array<i32>} : memref<3x400x64xf32, #tpu.memory_space<vmem>>, vector<1x1x16xf32>,
        %swap3A_723 = vector.shape_cast %swap3A_722 : vector<1x1x16xf32> to vector<16xf32>
        %swap3A_724 = vector.shape_cast %get3A_708 : vector<16xf32> to vector<1x1x16xf32>
        tpu.vector_store %arg8[%swap3A_719, %swap3A_720, %swap3A_721], %swap3A_724 {add = true, strides = array<i32>} : memref<3x400x64xf32, #tpu.memory_space<vmem>>, vector<1x1x16xf32>,
        %get3A_725 = arith.index_cast %add3A_664 : i32 to index
        %get3A_726 = arith.constant 48 : index
        %get3A_727 = tpu.vector_load %arg6[%get3A_725, %get3A_726] {strides = array<i32>} : memref<200x64xf32, #tpu.memory_space<vmem>>, vector<1x16xf32>,
        %get3A_728 = vector.shape_cast %get3A_727 : vector<1x16xf32> to vector<16xf32>
        %add3A_729 = arith.constant 0 : i32
        %add3A_730 = arith.addi %add3A_729, %add3A_664 : i32
        %swap3A_731 = arith.index_cast %select_n3A_137 : i32 to index
        %swap3A_732 = arith.index_cast %add3A_730 : i32 to index
        %swap3A_733 = arith.constant 48 : index
        %swap3A_734 = tpu.vector_load %arg8[%swap3A_731, %swap3A_732, %swap3A_733] {strides = array<i32>} : memref<3x400x64xf32, #tpu.memory_space<vmem>>, vector<1x1x16xf32>,
        %swap3A_735 = vector.shape_cast %swap3A_734 : vector<1x1x16xf32> to vector<16xf32>
        %swap3A_736 = vector.shape_cast %get3A_728 : vector<16xf32> to vector<1x1x16xf32>
        tpu.vector_store %arg8[%swap3A_731, %swap3A_732, %swap3A_733], %swap3A_736 {add = true, strides = array<i32>} : memref<3x400x64xf32, #tpu.memory_space<vmem>>, vector<1x1x16xf32>,
        %add3A_737 = arith.constant 200 : i32
        %add3A_738 = arith.addi %add3A_737, %add3A_664 : i32
        %swap3A_739 = arith.index_cast %select_n3A_137 : i32 to index
        %swap3A_740 = arith.index_cast %add3A_738 : i32 to index
        %swap3A_741 = arith.constant 48 : index
        %swap3A_742 = tpu.vector_load %arg8[%swap3A_739, %swap3A_740, %swap3A_741] {strides = array<i32>} : memref<3x400x64xf32, #tpu.memory_space<vmem>>, vector<1x1x16xf32>,
        %swap3A_743 = vector.shape_cast %swap3A_742 : vector<1x1x16xf32> to vector<16xf32>
        %swap3A_744 = vector.shape_cast %get3A_728 : vector<16xf32> to vector<1x1x16xf32>
        tpu.vector_store %arg8[%swap3A_739, %swap3A_740, %swap3A_741], %swap3A_744 {add = true, strides = array<i32>} : memref<3x400x64xf32, #tpu.memory_space<vmem>>, vector<1x1x16xf32>,
        %add3A_745 = arith.constant 2 : i32
        %add3A_746 = arith.addi %mul3A_580, %add3A_745 : i32
        %get3A_747 = arith.index_cast %add3A_746 : i32 to index
        %get3A_748 = arith.constant 0 : index
        %get3A_749 = tpu.vector_load %arg6[%get3A_747, %get3A_748] {strides = array<i32>} : memref<200x64xf32, #tpu.memory_space<vmem>>, vector<1x16xf32>,
        %get3A_750 = vector.shape_cast %get3A_749 : vector<1x16xf32> to vector<16xf32>
        %add3A_751 = arith.constant 0 : i32
        %add3A_752 = arith.addi %add3A_751, %add3A_746 : i32
        %swap3A_753 = arith.index_cast %select_n3A_137 : i32 to index
        %swap3A_754 = arith.index_cast %add3A_752 : i32 to index
        %swap3A_755 = arith.constant 0 : index
        %swap3A_756 = tpu.vector_load %arg8[%swap3A_753, %swap3A_754, %swap3A_755] {strides = array<i32>} : memref<3x400x64xf32, #tpu.memory_space<vmem>>, vector<1x1x16xf32>,
        %swap3A_757 = vector.shape_cast %swap3A_756 : vector<1x1x16xf32> to vector<16xf32>
        %swap3A_758 = vector.shape_cast %get3A_750 : vector<16xf32> to vector<1x1x16xf32>
        tpu.vector_store %arg8[%swap3A_753, %swap3A_754, %swap3A_755], %swap3A_758 {add = true, strides = array<i32>} : memref<3x400x64xf32, #tpu.memory_space<vmem>>, vector<1x1x16xf32>,
        %add3A_759 = arith.constant 200 : i32
        %add3A_760 = arith.addi %add3A_759, %add3A_746 : i32
        %swap3A_761 = arith.index_cast %select_n3A_137 : i32 to index
        %swap3A_762 = arith.index_cast %add3A_760 : i32 to index
        %swap3A_763 = arith.constant 0 : index
        %swap3A_764 = tpu.vector_load %arg8[%swap3A_761, %swap3A_762, %swap3A_763] {strides = array<i32>} : memref<3x400x64xf32, #tpu.memory_space<vmem>>, vector<1x1x16xf32>,
        %swap3A_765 = vector.shape_cast %swap3A_764 : vector<1x1x16xf32> to vector<16xf32>
        %swap3A_766 = vector.shape_cast %get3A_750 : vector<16xf32> to vector<1x1x16xf32>
        tpu.vector_store %arg8[%swap3A_761, %swap3A_762, %swap3A_763], %swap3A_766 {add = true, strides = array<i32>} : memref<3x400x64xf32, #tpu.memory_space<vmem>>, vector<1x1x16xf32>,
        %get3A_767 = arith.index_cast %add3A_746 : i32 to index
        %get3A_768 = arith.constant 16 : index
        %get3A_769 = tpu.vector_load %arg6[%get3A_767, %get3A_768] {strides = array<i32>} : memref<200x64xf32, #tpu.memory_space<vmem>>, vector<1x16xf32>,
        %get3A_770 = vector.shape_cast %get3A_769 : vector<1x16xf32> to vector<16xf32>
        %add3A_771 = arith.constant 0 : i32
        %add3A_772 = arith.addi %add3A_771, %add3A_746 : i32
        %swap3A_773 = arith.index_cast %select_n3A_137 : i32 to index
        %swap3A_774 = arith.index_cast %add3A_772 : i32 to index
        %swap3A_775 = arith.constant 16 : index
        %swap3A_776 = tpu.vector_load %arg8[%swap3A_773, %swap3A_774, %swap3A_775] {strides = array<i32>} : memref<3x400x64xf32, #tpu.memory_space<vmem>>, vector<1x1x16xf32>,
        %swap3A_777 = vector.shape_cast %swap3A_776 : vector<1x1x16xf32> to vector<16xf32>
        %swap3A_778 = vector.shape_cast %get3A_770 : vector<16xf32> to vector<1x1x16xf32>
        tpu.vector_store %arg8[%swap3A_773, %swap3A_774, %swap3A_775], %swap3A_778 {add = true, strides = array<i32>} : memref<3x400x64xf32, #tpu.memory_space<vmem>>, vector<1x1x16xf32>,
        %add3A_779 = arith.constant 200 : i32
        %add3A_780 = arith.addi %add3A_779, %add3A_746 : i32
        %swap3A_781 = arith.index_cast %select_n3A_137 : i32 to index
        %swap3A_782 = arith.index_cast %add3A_780 : i32 to index
        %swap3A_783 = arith.constant 16 : index
        %swap3A_784 = tpu.vector_load %arg8[%swap3A_781, %swap3A_782, %swap3A_783] {strides = array<i32>} : memref<3x400x64xf32, #tpu.memory_space<vmem>>, vector<1x1x16xf32>,
        %swap3A_785 = vector.shape_cast %swap3A_784 : vector<1x1x16xf32> to vector<16xf32>
        %swap3A_786 = vector.shape_cast %get3A_770 : vector<16xf32> to vector<1x1x16xf32>
        tpu.vector_store %arg8[%swap3A_781, %swap3A_782, %swap3A_783], %swap3A_786 {add = true, strides = array<i32>} : memref<3x400x64xf32, #tpu.memory_space<vmem>>, vector<1x1x16xf32>,
        %get3A_787 = arith.index_cast %add3A_746 : i32 to index
        %get3A_788 = arith.constant 32 : index
        %get3A_789 = tpu.vector_load %arg6[%get3A_787, %get3A_788] {strides = array<i32>} : memref<200x64xf32, #tpu.memory_space<vmem>>, vector<1x16xf32>,
        %get3A_790 = vector.shape_cast %get3A_789 : vector<1x16xf32> to vector<16xf32>
        %add3A_791 = arith.constant 0 : i32
        %add3A_792 = arith.addi %add3A_791, %add3A_746 : i32
        %swap3A_793 = arith.index_cast %select_n3A_137 : i32 to index
        %swap3A_794 = arith.index_cast %add3A_792 : i32 to index
        %swap3A_795 = arith.constant 32 : index
        %swap3A_796 = tpu.vector_load %arg8[%swap3A_793, %swap3A_794, %swap3A_795] {strides = array<i32>} : memref<3x400x64xf32, #tpu.memory_space<vmem>>, vector<1x1x16xf32>,
        %swap3A_797 = vector.shape_cast %swap3A_796 : vector<1x1x16xf32> to vector<16xf32>
        %swap3A_798 = vector.shape_cast %get3A_790 : vector<16xf32> to vector<1x1x16xf32>
        tpu.vector_store %arg8[%swap3A_793, %swap3A_794, %swap3A_795], %swap3A_798 {add = true, strides = array<i32>} : memref<3x400x64xf32, #tpu.memory_space<vmem>>, vector<1x1x16xf32>,
        %add3A_799 = arith.constant 200 : i32
        %add3A_800 = arith.addi %add3A_799, %add3A_746 : i32
        %swap3A_801 = arith.index_cast %select_n3A_137 : i32 to index
        %swap3A_802 = arith.index_cast %add3A_800 : i32 to index
        %swap3A_803 = arith.constant 32 : index
        %swap3A_804 = tpu.vector_load %arg8[%swap3A_801, %swap3A_802, %swap3A_803] {strides = array<i32>} : memref<3x400x64xf32, #tpu.memory_space<vmem>>, vector<1x1x16xf32>,
        %swap3A_805 = vector.shape_cast %swap3A_804 : vector<1x1x16xf32> to vector<16xf32>
        %swap3A_806 = vector.shape_cast %get3A_790 : vector<16xf32> to vector<1x1x16xf32>
        tpu.vector_store %arg8[%swap3A_801, %swap3A_802, %swap3A_803], %swap3A_806 {add = true, strides = array<i32>} : memref<3x400x64xf32, #tpu.memory_space<vmem>>, vector<1x1x16xf32>,
        %get3A_807 = arith.index_cast %add3A_746 : i32 to index
        %get3A_808 = arith.constant 48 : index
        %get3A_809 = tpu.vector_load %arg6[%get3A_807, %get3A_808] {strides = array<i32>} : memref<200x64xf32, #tpu.memory_space<vmem>>, vector<1x16xf32>,
        %get3A_810 = vector.shape_cast %get3A_809 : vector<1x16xf32> to vector<16xf32>
        %add3A_811 = arith.constant 0 : i32
        %add3A_812 = arith.addi %add3A_811, %add3A_746 : i32
        %swap3A_813 = arith.index_cast %select_n3A_137 : i32 to index
        %swap3A_814 = arith.index_cast %add3A_812 : i32 to index
        %swap3A_815 = arith.constant 48 : index
        %swap3A_816 = tpu.vector_load %arg8[%swap3A_813, %swap3A_814, %swap3A_815] {strides = array<i32>} : memref<3x400x64xf32, #tpu.memory_space<vmem>>, vector<1x1x16xf32>,
        %swap3A_817 = vector.shape_cast %swap3A_816 : vector<1x1x16xf32> to vector<16xf32>
        %swap3A_818 = vector.shape_cast %get3A_810 : vector<16xf32> to vector<1x1x16xf32>
        tpu.vector_store %arg8[%swap3A_813, %swap3A_814, %swap3A_815], %swap3A_818 {add = true, strides = array<i32>} : memref<3x400x64xf32, #tpu.memory_space<vmem>>, vector<1x1x16xf32>,
        %add3A_819 = arith.constant 200 : i32
        %add3A_820 = arith.addi %add3A_819, %add3A_746 : i32
        %swap3A_821 = arith.index_cast %select_n3A_137 : i32 to index
        %swap3A_822 = arith.index_cast %add3A_820 : i32 to index
        %swap3A_823 = arith.constant 48 : index
        %swap3A_824 = tpu.vector_load %arg8[%swap3A_821, %swap3A_822, %swap3A_823] {strides = array<i32>} : memref<3x400x64xf32, #tpu.memory_space<vmem>>, vector<1x1x16xf32>,
        %swap3A_825 = vector.shape_cast %swap3A_824 : vector<1x1x16xf32> to vector<16xf32>
        %swap3A_826 = vector.shape_cast %get3A_810 : vector<16xf32> to vector<1x1x16xf32>
        tpu.vector_store %arg8[%swap3A_821, %swap3A_822, %swap3A_823], %swap3A_826 {add = true, strides = array<i32>} : memref<3x400x64xf32, #tpu.memory_space<vmem>>, vector<1x1x16xf32>,
        %add3A_827 = arith.constant 3 : i32
        %add3A_828 = arith.addi %mul3A_580, %add3A_827 : i32
        %get3A_829 = arith.index_cast %add3A_828 : i32 to index
        %get3A_830 = arith.constant 0 : index
        %get3A_831 = tpu.vector_load %arg6[%get3A_829, %get3A_830] {strides = array<i32>} : memref<200x64xf32, #tpu.memory_space<vmem>>, vector<1x16xf32>,
        %get3A_832 = vector.shape_cast %get3A_831 : vector<1x16xf32> to vector<16xf32>
        %add3A_833 = arith.constant 0 : i32
        %add3A_834 = arith.addi %add3A_833, %add3A_828 : i32
        %swap3A_835 = arith.index_cast %select_n3A_137 : i32 to index
        %swap3A_836 = arith.index_cast %add3A_834 : i32 to index
        %swap3A_837 = arith.constant 0 : index
        %swap3A_838 = tpu.vector_load %arg8[%swap3A_835, %swap3A_836, %swap3A_837] {strides = array<i32>} : memref<3x400x64xf32, #tpu.memory_space<vmem>>, vector<1x1x16xf32>,
        %swap3A_839 = vector.shape_cast %swap3A_838 : vector<1x1x16xf32> to vector<16xf32>
        %swap3A_840 = vector.shape_cast %get3A_832 : vector<16xf32> to vector<1x1x16xf32>
        tpu.vector_store %arg8[%swap3A_835, %swap3A_836, %swap3A_837], %swap3A_840 {add = true, strides = array<i32>} : memref<3x400x64xf32, #tpu.memory_space<vmem>>, vector<1x1x16xf32>,
        %add3A_841 = arith.constant 200 : i32
        %add3A_842 = arith.addi %add3A_841, %add3A_828 : i32
        %swap3A_843 = arith.index_cast %select_n3A_137 : i32 to index
        %swap3A_844 = arith.index_cast %add3A_842 : i32 to index
        %swap3A_845 = arith.constant 0 : index
        %swap3A_846 = tpu.vector_load %arg8[%swap3A_843, %swap3A_844, %swap3A_845] {strides = array<i32>} : memref<3x400x64xf32, #tpu.memory_space<vmem>>, vector<1x1x16xf32>,
        %swap3A_847 = vector.shape_cast %swap3A_846 : vector<1x1x16xf32> to vector<16xf32>
        %swap3A_848 = vector.shape_cast %get3A_832 : vector<16xf32> to vector<1x1x16xf32>
        tpu.vector_store %arg8[%swap3A_843, %swap3A_844, %swap3A_845], %swap3A_848 {add = true, strides = array<i32>} : memref<3x400x64xf32, #tpu.memory_space<vmem>>, vector<1x1x16xf32>,
        %get3A_849 = arith.index_cast %add3A_828 : i32 to index
        %get3A_850 = arith.constant 16 : index
        %get3A_851 = tpu.vector_load %arg6[%get3A_849, %get3A_850] {strides = array<i32>} : memref<200x64xf32, #tpu.memory_space<vmem>>, vector<1x16xf32>,
        %get3A_852 = vector.shape_cast %get3A_851 : vector<1x16xf32> to vector<16xf32>
        %add3A_853 = arith.constant 0 : i32
        %add3A_854 = arith.addi %add3A_853, %add3A_828 : i32
        %swap3A_855 = arith.index_cast %select_n3A_137 : i32 to index
        %swap3A_856 = arith.index_cast %add3A_854 : i32 to index
        %swap3A_857 = arith.constant 16 : index
        %swap3A_858 = tpu.vector_load %arg8[%swap3A_855, %swap3A_856, %swap3A_857] {strides = array<i32>} : memref<3x400x64xf32, #tpu.memory_space<vmem>>, vector<1x1x16xf32>,
        %swap3A_859 = vector.shape_cast %swap3A_858 : vector<1x1x16xf32> to vector<16xf32>
        %swap3A_860 = vector.shape_cast %get3A_852 : vector<16xf32> to vector<1x1x16xf32>
        tpu.vector_store %arg8[%swap3A_855, %swap3A_856, %swap3A_857], %swap3A_860 {add = true, strides = array<i32>} : memref<3x400x64xf32, #tpu.memory_space<vmem>>, vector<1x1x16xf32>,
        %add3A_861 = arith.constant 200 : i32
        %add3A_862 = arith.addi %add3A_861, %add3A_828 : i32
        %swap3A_863 = arith.index_cast %select_n3A_137 : i32 to index
        %swap3A_864 = arith.index_cast %add3A_862 : i32 to index
        %swap3A_865 = arith.constant 16 : index
        %swap3A_866 = tpu.vector_load %arg8[%swap3A_863, %swap3A_864, %swap3A_865] {strides = array<i32>} : memref<3x400x64xf32, #tpu.memory_space<vmem>>, vector<1x1x16xf32>,
        %swap3A_867 = vector.shape_cast %swap3A_866 : vector<1x1x16xf32> to vector<16xf32>
        %swap3A_868 = vector.shape_cast %get3A_852 : vector<16xf32> to vector<1x1x16xf32>
        tpu.vector_store %arg8[%swap3A_863, %swap3A_864, %swap3A_865], %swap3A_868 {add = true, strides = array<i32>} : memref<3x400x64xf32, #tpu.memory_space<vmem>>, vector<1x1x16xf32>,
        %get3A_869 = arith.index_cast %add3A_828 : i32 to index
        %get3A_870 = arith.constant 32 : index
        %get3A_871 = tpu.vector_load %arg6[%get3A_869, %get3A_870] {strides = array<i32>} : memref<200x64xf32, #tpu.memory_space<vmem>>, vector<1x16xf32>,
        %get3A_872 = vector.shape_cast %get3A_871 : vector<1x16xf32> to vector<16xf32>
        %add3A_873 = arith.constant 0 : i32
        %add3A_874 = arith.addi %add3A_873, %add3A_828 : i32
        %swap3A_875 = arith.index_cast %select_n3A_137 : i32 to index
        %swap3A_876 = arith.index_cast %add3A_874 : i32 to index
        %swap3A_877 = arith.constant 32 : index
        %swap3A_878 = tpu.vector_load %arg8[%swap3A_875, %swap3A_876, %swap3A_877] {strides = array<i32>} : memref<3x400x64xf32, #tpu.memory_space<vmem>>, vector<1x1x16xf32>,
        %swap3A_879 = vector.shape_cast %swap3A_878 : vector<1x1x16xf32> to vector<16xf32>
        %swap3A_880 = vector.shape_cast %get3A_872 : vector<16xf32> to vector<1x1x16xf32>
        tpu.vector_store %arg8[%swap3A_875, %swap3A_876, %swap3A_877], %swap3A_880 {add = true, strides = array<i32>} : memref<3x400x64xf32, #tpu.memory_space<vmem>>, vector<1x1x16xf32>,
        %add3A_881 = arith.constant 200 : i32
        %add3A_882 = arith.addi %add3A_881, %add3A_828 : i32
        %swap3A_883 = arith.index_cast %select_n3A_137 : i32 to index
        %swap3A_884 = arith.index_cast %add3A_882 : i32 to index
        %swap3A_885 = arith.constant 32 : index
        %swap3A_886 = tpu.vector_load %arg8[%swap3A_883, %swap3A_884, %swap3A_885] {strides = array<i32>} : memref<3x400x64xf32, #tpu.memory_space<vmem>>, vector<1x1x16xf32>,
        %swap3A_887 = vector.shape_cast %swap3A_886 : vector<1x1x16xf32> to vector<16xf32>
        %swap3A_888 = vector.shape_cast %get3A_872 : vector<16xf32> to vector<1x1x16xf32>
        tpu.vector_store %arg8[%swap3A_883, %swap3A_884, %swap3A_885], %swap3A_888 {add = true, strides = array<i32>} : memref<3x400x64xf32, #tpu.memory_space<vmem>>, vector<1x1x16xf32>,
        %get3A_889 = arith.index_cast %add3A_828 : i32 to index
        %get3A_890 = arith.constant 48 : index
        %get3A_891 = tpu.vector_load %arg6[%get3A_889, %get3A_890] {strides = array<i32>} : memref<200x64xf32, #tpu.memory_space<vmem>>, vector<1x16xf32>,
        %get3A_892 = vector.shape_cast %get3A_891 : vector<1x16xf32> to vector<16xf32>
        %add3A_893 = arith.constant 0 : i32
        %add3A_894 = arith.addi %add3A_893, %add3A_828 : i32
        %swap3A_895 = arith.index_cast %select_n3A_137 : i32 to index
        %swap3A_896 = arith.index_cast %add3A_894 : i32 to index
        %swap3A_897 = arith.constant 48 : index
        %swap3A_898 = tpu.vector_load %arg8[%swap3A_895, %swap3A_896, %swap3A_897] {strides = array<i32>} : memref<3x400x64xf32, #tpu.memory_space<vmem>>, vector<1x1x16xf32>,
        %swap3A_899 = vector.shape_cast %swap3A_898 : vector<1x1x16xf32> to vector<16xf32>
        %swap3A_900 = vector.shape_cast %get3A_892 : vector<16xf32> to vector<1x1x16xf32>
        tpu.vector_store %arg8[%swap3A_895, %swap3A_896, %swap3A_897], %swap3A_900 {add = true, strides = array<i32>} : memref<3x400x64xf32, #tpu.memory_space<vmem>>, vector<1x1x16xf32>,
        %add3A_901 = arith.constant 200 : i32
        %add3A_902 = arith.addi %add3A_901, %add3A_828 : i32
        %swap3A_903 = arith.index_cast %select_n3A_137 : i32 to index
        %swap3A_904 = arith.index_cast %add3A_902 : i32 to index
        %swap3A_905 = arith.constant 48 : index
        %swap3A_906 = tpu.vector_load %arg8[%swap3A_903, %swap3A_904, %swap3A_905] {strides = array<i32>} : memref<3x400x64xf32, #tpu.memory_space<vmem>>, vector<1x1x16xf32>,
        %swap3A_907 = vector.shape_cast %swap3A_906 : vector<1x1x16xf32> to vector<16xf32>
        %swap3A_908 = vector.shape_cast %get3A_892 : vector<16xf32> to vector<1x1x16xf32>
        tpu.vector_store %arg8[%swap3A_903, %swap3A_904, %swap3A_905], %swap3A_908 {add = true, strides = array<i32>} : memref<3x400x64xf32, #tpu.memory_space<vmem>>, vector<1x1x16xf32>,
      }
      %scan3A_230 = arith.constant 50 : i32
      %add3A_231 = arith.addi %mul3A_2, %scan3A_128 : i32
      %mul3A_232 = arith.constant 400 : i32
      %mul3A_233 = arith.muli %add3A_231, %mul3A_232 : i32
      %dma_start3A_234 = arith.constant 0 : i32
      %dma_start3A_235 = arith.constant 0 : i32
      %dma_start3A_236 = tpu.memref_slice %arg8[%select_n3A_137, %dma_start3A_234, %dma_start3A_235] : memref<3x400x64xf32, #tpu.memory_space<vmem>> -> memref<1x400x64xf32, #tpu.memory_space<vmem>>
      %dma_start3A_237 = tpu.memref_squeeze %dma_start3A_236 : memref<1x400x64xf32, #tpu.memory_space<vmem>> -> memref<400x64xf32, #tpu.memory_space<vmem>>
      %dma_start3A_238 = arith.constant 0 : i32
      %dma_start3A_239 = tpu.memref_slice %arg5[%mul3A_233, %dma_start3A_238] : memref<819200x64xf32, #tpu.memory_space<hbm>> -> memref<400x64xf32, #tpu.memory_space<hbm>>
      %dma_start3A_240 = tpu.memref_slice %arg11[%select_n3A_137] : memref<3x!tpu.dma_semaphore, #tpu.memory_space<semaphore_mem>> -> memref<1x!tpu.dma_semaphore, #tpu.memory_space<semaphore_mem>>
      %dma_start3A_241 = tpu.memref_squeeze %dma_start3A_240 : memref<1x!tpu.dma_semaphore, #tpu.memory_space<semaphore_mem>> -> memref<!tpu.dma_semaphore, #tpu.memory_space<semaphore_mem>>
      %dma_start3A_242 = arith.constant 0 : i32
      %dma_start3A_243 = tpu.memref_slice %arg5[%mul3A_233, %dma_start3A_242] : memref<819200x64xf32, #tpu.memory_space<hbm>> -> memref<400x64xf32, #tpu.memory_space<hbm>>
      %dma_start3A_244 = arith.constant 0 : i32
      %dma_start3A_245 = arith.constant 0 : i32
      %dma_start3A_246 = tpu.memref_slice %arg8[%select_n3A_137, %dma_start3A_244, %dma_start3A_245] : memref<3x400x64xf32, #tpu.memory_space<vmem>> -> memref<1x400x64xf32, #tpu.memory_space<vmem>>
      %dma_start3A_247 = tpu.memref_squeeze %dma_start3A_246 : memref<1x400x64xf32, #tpu.memory_space<vmem>> -> memref<400x64xf32, #tpu.memory_space<vmem>>
      tpu.enqueue_dma source(%dma_start3A_247 : memref<400x64xf32, #tpu.memory_space<vmem>>) target(%dma_start3A_243 : memref<400x64xf32, #tpu.memory_space<hbm>>) target_semaphore(%dma_start3A_241 : memref<!tpu.dma_semaphore, #tpu.memory_space<semaphore_mem>>)
    }
    %scan3A_74 = arith.constant 64 : i32
    %dma_wait3A = arith.constant 1 : i32
    %dma_wait3A_75 = arith.constant 1 : i32
    %dma_wait3A_76 = arith.constant 0 : i32
    %dma_wait3A_77 = arith.constant 0 : i32
    %dma_wait3A_78 = tpu.memref_slice %arg8[%dma_wait3A, %dma_wait3A_76, %dma_wait3A_77] : memref<3x400x64xf32, #tpu.memory_space<vmem>> -> memref<1x400x64xf32, #tpu.memory_space<vmem>>
    %dma_wait3A_79 = tpu.memref_squeeze %dma_wait3A_78 : memref<1x400x64xf32, #tpu.memory_space<vmem>> -> memref<400x64xf32, #tpu.memory_space<vmem>>
    %dma_wait3A_80 = arith.constant 0 : i32
    %dma_wait3A_81 = arith.constant 0 : i32
    %dma_wait3A_82 = tpu.memref_slice %arg5[%dma_wait3A_80, %dma_wait3A_81] : memref<819200x64xf32, #tpu.memory_space<hbm>> -> memref<400x64xf32, #tpu.memory_space<hbm>>
    %dma_wait3A_83 = tpu.memref_slice %arg11[%dma_wait3A_75] : memref<3x!tpu.dma_semaphore, #tpu.memory_space<semaphore_mem>> -> memref<1x!tpu.dma_semaphore, #tpu.memory_space<semaphore_mem>>
    %dma_wait3A_84 = tpu.memref_squeeze %dma_wait3A_83 : memref<1x!tpu.dma_semaphore, #tpu.memory_space<semaphore_mem>> -> memref<!tpu.dma_semaphore, #tpu.memory_space<semaphore_mem>>
    %dma_wait3A_85 = arith.constant 0 : i32
    %dma_wait3A_86 = arith.constant 0 : i32
    %dma_wait3A_87 = tpu.memref_slice %arg5[%dma_wait3A_85, %dma_wait3A_86] : memref<819200x64xf32, #tpu.memory_space<hbm>> -> memref<400x64xf32, #tpu.memory_space<hbm>>
    %dma_wait3A_88 = arith.constant 0 : i32
    %dma_wait3A_89 = arith.constant 0 : i32
    %dma_wait3A_90 = tpu.memref_slice %arg8[%dma_wait3A, %dma_wait3A_88, %dma_wait3A_89] : memref<3x400x64xf32, #tpu.memory_space<vmem>> -> memref<1x400x64xf32, #tpu.memory_space<vmem>>
    %dma_wait3A_91 = tpu.memref_squeeze %dma_wait3A_90 : memref<1x400x64xf32, #tpu.memory_space<vmem>> -> memref<400x64xf32, #tpu.memory_space<vmem>>
    tpu.wait_dma2 semaphore(%dma_wait3A_84 : memref<!tpu.dma_semaphore, #tpu.memory_space<semaphore_mem>>) src(%dma_wait3A_91 : memref<400x64xf32, #tpu.memory_space<vmem>>) dst(%dma_wait3A_87 : memref<400x64xf32, #tpu.memory_space<hbm>>)
    %dma_wait3A_92 = arith.constant 2 : i32
    %dma_wait3A_93 = arith.constant 2 : i32
    %dma_wait3A_94 = arith.constant 0 : i32
    %dma_wait3A_95 = arith.constant 0 : i32
    %dma_wait3A_96 = tpu.memref_slice %arg8[%dma_wait3A_92, %dma_wait3A_94, %dma_wait3A_95] : memref<3x400x64xf32, #tpu.memory_space<vmem>> -> memref<1x400x64xf32, #tpu.memory_space<vmem>>
    %dma_wait3A_97 = tpu.memref_squeeze %dma_wait3A_96 : memref<1x400x64xf32, #tpu.memory_space<vmem>> -> memref<400x64xf32, #tpu.memory_space<vmem>>
    %dma_wait3A_98 = arith.constant 0 : i32
    %dma_wait3A_99 = arith.constant 0 : i32
    %dma_wait3A_100 = tpu.memref_slice %arg5[%dma_wait3A_98, %dma_wait3A_99] : memref<819200x64xf32, #tpu.memory_space<hbm>> -> memref<400x64xf32, #tpu.memory_space<hbm>>
    %dma_wait3A_101 = tpu.memref_slice %arg11[%dma_wait3A_93] : memref<3x!tpu.dma_semaphore, #tpu.memory_space<semaphore_mem>> -> memref<1x!tpu.dma_semaphore, #tpu.memory_space<semaphore_mem>>
    %dma_wait3A_102 = tpu.memref_squeeze %dma_wait3A_101 : memref<1x!tpu.dma_semaphore, #tpu.memory_space<semaphore_mem>> -> memref<!tpu.dma_semaphore, #tpu.memory_space<semaphore_mem>>
    %dma_wait3A_103 = arith.constant 0 : i32
    %dma_wait3A_104 = arith.constant 0 : i32
    %dma_wait3A_105 = tpu.memref_slice %arg5[%dma_wait3A_103, %dma_wait3A_104] : memref<819200x64xf32, #tpu.memory_space<hbm>> -> memref<400x64xf32, #tpu.memory_space<hbm>>
    %dma_wait3A_106 = arith.constant 0 : i32
    %dma_wait3A_107 = arith.constant 0 : i32
    %dma_wait3A_108 = tpu.memref_slice %arg8[%dma_wait3A_92, %dma_wait3A_106, %dma_wait3A_107] : memref<3x400x64xf32, #tpu.memory_space<vmem>> -> memref<1x400x64xf32, #tpu.memory_space<vmem>>
    %dma_wait3A_109 = tpu.memref_squeeze %dma_wait3A_108 : memref<1x400x64xf32, #tpu.memory_space<vmem>> -> memref<400x64xf32, #tpu.memory_space<vmem>>
    tpu.wait_dma2 semaphore(%dma_wait3A_102 : memref<!tpu.dma_semaphore, #tpu.memory_space<semaphore_mem>>) src(%dma_wait3A_109 : memref<400x64xf32, #tpu.memory_space<vmem>>) dst(%dma_wait3A_105 : memref<400x64xf32, #tpu.memory_space<hbm>>)
    %dma_wait3A_110 = arith.constant 0 : i32
    %dma_wait3A_111 = arith.constant 0 : i32
    %dma_wait3A_112 = arith.constant 0 : i32
    %dma_wait3A_113 = arith.constant 0 : i32
    %dma_wait3A_114 = tpu.memref_slice %arg8[%dma_wait3A_110, %dma_wait3A_112, %dma_wait3A_113] : memref<3x400x64xf32, #tpu.memory_space<vmem>> -> memref<1x400x64xf32, #tpu.memory_space<vmem>>
    %dma_wait3A_115 = tpu.memref_squeeze %dma_wait3A_114 : memref<1x400x64xf32, #tpu.memory_space<vmem>> -> memref<400x64xf32, #tpu.memory_space<vmem>>
    %dma_wait3A_116 = arith.constant 0 : i32
    %dma_wait3A_117 = arith.constant 0 : i32
    %dma_wait3A_118 = tpu.memref_slice %arg5[%dma_wait3A_116, %dma_wait3A_117] : memref<819200x64xf32, #tpu.memory_space<hbm>> -> memref<400x64xf32, #tpu.memory_space<hbm>>
    %dma_wait3A_119 = tpu.memref_slice %arg11[%dma_wait3A_111] : memref<3x!tpu.dma_semaphore, #tpu.memory_space<semaphore_mem>> -> memref<1x!tpu.dma_semaphore, #tpu.memory_space<semaphore_mem>>
    %dma_wait3A_120 = tpu.memref_squeeze %dma_wait3A_119 : memref<1x!tpu.dma_semaphore, #tpu.memory_space<semaphore_mem>> -> memref<!tpu.dma_semaphore, #tpu.memory_space<semaphore_mem>>
    %dma_wait3A_121 = arith.constant 0 : i32
    %dma_wait3A_122 = arith.constant 0 : i32
    %dma_wait3A_123 = tpu.memref_slice %arg5[%dma_wait3A_121, %dma_wait3A_122] : memref<819200x64xf32, #tpu.memory_space<hbm>> -> memref<400x64xf32, #tpu.memory_space<hbm>>
    %dma_wait3A_124 = arith.constant 0 : i32
    %dma_wait3A_125 = arith.constant 0 : i32
    %dma_wait3A_126 = tpu.memref_slice %arg8[%dma_wait3A_110, %dma_wait3A_124, %dma_wait3A_125] : memref<3x400x64xf32, #tpu.memory_space<vmem>> -> memref<1x400x64xf32, #tpu.memory_space<vmem>>
    %dma_wait3A_127 = tpu.memref_squeeze %dma_wait3A_126 : memref<1x400x64xf32, #tpu.memory_space<vmem>> -> memref<400x64xf32, #tpu.memory_space<vmem>>
    tpu.wait_dma2 semaphore(%dma_wait3A_120 : memref<!tpu.dma_semaphore, #tpu.memory_space<semaphore_mem>>) src(%dma_wait3A_127 : memref<400x64xf32, #tpu.memory_space<vmem>>) dst(%dma_wait3A_123 : memref<400x64xf32, #tpu.memory_space<hbm>>)
    return
  }
}

</mosaic_0001>

<sc_bundles>
// kernel: _run.3.cloned.1.call-start
scs
__scs_entry_jumppad:
0x0: {  	(pc) =	sbr.rel $0x88, $3  }
0x1: {  	(tag) =	ssettag $0x0;
	lr =	simm.s32 $0x1  }
0x2: {  	[smem:$0x3F9E] =	sst lr;
	_ =	strace $0xD0000000  }
0x3: {  	_ = 	snop  }
0x4: {  	_ = 	snop  }
0x5: {  	_ = 	snop  }
0x6: {  	_ = 	snop  }
0x7: {  	_ = 	snop  }
__scs_overlays_trampoline_lowered:
0x8: {  	[smem:$0x3FAD] =	sst s0  }
0x9: {  	[smem:$0x3FAE] =	sst s1  }
0xa: {  	[smem:$0x3FAF] =	sst s2  }
0xb: {  	[smem:$0x3FB0] =	sst s3  }
0xc: {  	[smem:$0x3FB1] =	sst s4  }
0xd: {  	[smem:$0x3FB2] =	sst s5  }
0xe: {  	[smem:$0x3FB3] =	sst s6  }
0xf: {  	[smem:$0x3FB4] =	sst s7  }
0x10: {  	[smem:$0x3FB5] =	sst s8  }
0x11: {  	[smem:$0x3FB6] =	sst s9;
	s0 =	simm.s32 @!p0 $0x0  }
0x12: {  	s1 =	sld [smem:$0x3F9C];
	s0 =	simm.s32 @p0 $0x1  }
0x13: {  	[smem:$0x3FB7] =	sst s0;
	s0 =	simm.s32 @!p1 $0x0  }
0x14: {  	s2 =	sld [smem:$0x3F9B];
	s0 =	simm.s32 @p1 $0x1  }
0x15: {  	[smem:$0x3FB8] =	sst s0;
	s0 =	simm.s32 @!p2 $0x0  }
0x16: {  	s3 =	sld [smem:$0x3FDB];
	s0 =	simm.s32 @p2 $0x1  }
0x17: {  	s4 =	simm.s32 $0x1BF5;
	[smem:$0x3FBA] =	sst s0  }
0x18: {  	s0 =	sld [smem:$0x3F9D];
	_ =	swait.ge [sflag:s4], $0x0  }
0x19: {  	s7 =	sld [smem:$0x3F9E]  }
0x1a: {  	s8 =	sadd.s32 $0xFFFFE003, lr  }
0x1b: {  	s9 =	sadd.s32 $0xFFFFFEF7, lr;
	s5 =	simm.s32 $0xFFFFFFFF;
	p2 =	slt.u32 s8, $0xFFFFF086  }
0x1c: {  	p1 =	slt.u32 s9, $0xF7A;
	s5 =	simm.s32 @!p2 $0x0  }
0x1d: {  	s5 =	simm.s32 @p1 $0x1;
	p0 =	seq.s32 s7, s2  }
0x1e: {  	s7 =	smul.u32 @!p0 $0xF7A, s2;
	p2 =	seq.s32 @!p0 s5, $0x0  }
0x1f: {  	s9 =	smul.u32 $0xF7A, s1;
	s8 =	simm.s32 @!p0 $0x1BF5;
	p2 =	por !p2, p0  }
0x20: {  	[sflag:s8] =	ssyncset.s32 @!p0 $0xFFFFF086;
	s6 =	sadd.s32 @!p0 s3, s7;
	s7 =	simm.s32 @!p0 $0x108  }
0x21: {  	s3 =	sadd.s32 s3, s9;
	s6 =	sadd.s32 @!p0 $0x88, s6;
	s7 =	simm.s32 @p2 $0x1082  }
0x22: {  	[simem:s7], [sflag:s8] =	dma.local @!p0 [hbm:s6], $0xF7A  }
0x23: {  	s9 =	sor.u32 $0xD0000000, s2;
	s6 =	simm.s32 $0x108;
	_ =	swait.ge @!p0 [sflag:s8], $0x0  }
0x24: {  	s3 =	sadd.s32 $0x88, s3;
	s6 =	simm.s32 @!p1 $0x1082;
	[sflag:s4] =	ssyncset.s32 $0xFFFFF086  }
0x25: {  	[simem:s6], [sflag:s4] =	dma.local [hbm:s3], $0xF7A  }
0x26: {  	[smem:$0x3F9E] =	sst s1;
	(tag) =	ssettag s2;
	_ =	strace s9  }
0x27: {  	s1 =	sld [smem:$0x3FAE]  }
0x28: {  	s2 =	sld [smem:$0x3FAF]  }
0x29: {  	s4 =	sld [smem:$0x3FB1]  }
0x2a: {  	p0 =	seq.s32 s5, $0x0;
	s5 =	sld [smem:$0x3FB2]  }
0x2b: {  	s6 =	sld [smem:$0x3FB3]  }
0x2c: {  	s7 =	sld [smem:$0x3FB4]  }
0x2d: {  	s3 =	simm.s32 $0x108;
	s8 =	sld [smem:$0x3FB5]  }
0x2e: {  	s3 =	simm.s32 @!p0 $0x1082;
	s9 =	sld [smem:$0x3FB6]  }
0x2f: {  	lr =	sadd.s32 s0, s3;
	s0 =	sld [smem:$0x3FAD]  }
0x30: {  	s3 =	sld [smem:$0x3FB0]  }
0x31: {  	[smem:$0x3FB9] =	sst s10  }
0x32: {  	s10 =	sld [smem:$0x3FB7];
	_ =	sdelay $0x3  }
0x33: {  	p0 =	seq.s32 s10, $0x1;
	s10 =	sld [smem:$0x3FB9];
	_ =	sdelay $0x3  }
0x34: {  	[smem:$0x3FB9] =	sst s10  }
0x35: {  	s10 =	sld [smem:$0x3FB8];
	_ =	sdelay $0x3  }
0x36: {  	p1 =	seq.s32 s10, $0x1;
	s10 =	sld [smem:$0x3FB9];
	_ =	sdelay $0x3  }
0x37: {  	[smem:$0x3FB9] =	sst s10  }
0x38: {  	s10 =	sld [smem:$0x3FBA]  }
0x39: {  	_ = 	snop;
	(pc) =	sbr.ind lr, $3  }
0x3a: {  	_ = 	snop  }
0x3b: {  	_ = 	snop  }
0x3c: {  	p2 =	seq.s32 s10, $0x1;
	s10 =	sld [smem:$0x3FB9]  }
0x3d: {  	_ =	shalt  }
0x3e: {  	_ =	shalt  }
0x3f: {  	_ =	shalt  }
0x40: {  	_ =	shalt  }
0x41: {  	_ =	shalt  }
0x42: {  	_ =	shalt  }
0x43: {  	_ =	shalt  }
0x44: {  	_ =	shalt  }
0x45: {  	_ =	shalt  }
0x46: {  	_ =	shalt  }
0x47: {  	_ =	shalt  }
0x48: {  	_ =	shalt  }
0x49: {  	_ =	shalt  }
0x4a: {  	_ =	shalt  }
0x4b: {  	_ =	shalt  }
0x4c: {  	_ =	shalt  }
0x4d: {  	_ =	shalt  }
0x4e: {  	_ =	shalt  }
0x4f: {  	_ =	shalt  }
0x50: {  	_ =	shalt  }
0x51: {  	_ =	shalt  }
0x52: {  	_ =	shalt  }
0x53: {  	_ =	shalt  }
0x54: {  	_ =	shalt  }
0x55: {  	_ =	shalt  }
0x56: {  	_ =	shalt  }
0x57: {  	_ =	shalt  }
0x58: {  	_ =	shalt  }
0x59: {  	_ =	shalt  }
0x5a: {  	_ =	shalt  }
0x5b: {  	_ =	shalt  }
0x5c: {  	_ =	shalt  }
0x5d: {  	_ =	shalt  }
0x5e: {  	_ =	shalt  }
0x5f: {  	_ =	shalt  }
0x60: {  	_ =	shalt  }
0x61: {  	_ =	shalt  }
0x62: {  	_ =	shalt  }
0x63: {  	_ =	shalt  }
0x64: {  	_ =	shalt  }
0x65: {  	_ =	shalt  }
0x66: {  	_ =	shalt  }
0x67: {  	_ =	shalt  }
0x68: {  	_ =	shalt  }
0x69: {  	_ =	shalt  }
0x6a: {  	_ =	shalt  }
0x6b: {  	_ =	shalt  }
0x6c: {  	_ =	shalt  }
0x6d: {  	_ =	shalt  }
0x6e: {  	_ =	shalt  }
0x6f: {  	_ =	shalt  }
0x70: {  	_ =	shalt  }
0x71: {  	_ =	shalt  }
0x72: {  	_ =	shalt  }
0x73: {  	_ =	shalt  }
0x74: {  	_ =	shalt  }
0x75: {  	_ =	shalt  }
0x76: {  	_ =	shalt  }
0x77: {  	_ =	shalt  }
0x78: {  	_ =	shalt  }
0x79: {  	_ =	shalt  }
0x7a: {  	_ =	shalt  }
0x7b: {  	_ =	shalt  }
0x7c: {  	_ =	shalt  }
0x7d: {  	_ =	shalt  }
0x7e: {  	_ =	shalt  }
0x7f: {  	_ =	shalt  }
0x80: {  	_ =	shalt  }
0x81: {  	_ =	shalt  }
0x82: {  	_ =	shalt  }
0x83: {  	_ =	shalt  }
0x84: {  	_ =	shalt  }
0x85: {  	_ =	shalt  }
0x86: {  	_ =	shalt  }
0x87: {  	_ =	shalt  }
.Lfunc_end0:
.L_simem_size_0:
called_computation.1_lowered:
.L_overlay_start_0:
0x88: {  	s2 =	sld [smem:$0x3FD9]  }
0x89: {  	s3 =	sld [smem:$0x3FFE];
	_ =	sdelay $0x1  }
0x8a: {  	s1 =	srdreg.scid  }
0x8b: {  	s0 =	sand.u32 $0x1, s1  }
0x8c: {  	s17 =	sshll.u32 s0, $0xA;
	s2 =	sadd.s32 s3, s2  }
0x8d: {  	s2 =	sadd.s32 s2, s17  }
0x8e: {  	[smem:$0x3FC5] =	sst s2  }
0x8f: {  	_ = 	snop  }
0x90: {  	s2 =	sld [smem:$0x3FD0];
	(tm) =	ssettm $0x1  }
0x91: {  	s18 =	sld [smem:$0x3FFB];
	_ =	sdelay $0x3  }
0x92: {  	_ =	strace s18  }
0x93: {  	s3 =	sld [smem:$0x3FFC];
	_ =	sdelay $0x3  }
0x94: {  	_ =	strace s3  }
0x95: {  	s3 =	sld [smem:$0x3FFD];
	_ =	sdelay $0x3  }
0x96: {  	_ =	strace s3  }
0x97: {  	_ =	strace $0x8FFFFFFF  }
0x98: {  	s19 =	sld [smem:$0x3FDB];
	_ =	sdelay $0x1  }
0x99: {  	s4 =	simm.s32 $_scs_section_size  }
0x9a: {  	s5 =	simm.s32 $_size__tile_overlayer_lowered;
	s6 =	simm.s32 $_tile_overlayer_lowered  }
0x9b: {  	s22 =	simm.s32 $0x1BFF;
	s21 =	sshll.u32 s6, $0x1;
	s3 =	sadd.s32 s4, s19  }
0x9c: {  	s7 =	simm.s32 $0x0;
	s20 =	sshll.u32 s5, $0x1;
	s5 =	sadd.s32 s21, s3  }
0x9d: {  	[timem:s7], [sflag:s22] =	dma.local [hbm:s5], s20  }
0x9e: {  	_ =	swait.ge [sflag:s22], s20  }
0x9f: {  	s4 =	ssub.s32 $0x0, s20;
	[sflag:s22] =	ssyncset.done $0x0  }
0xa0: {  	[sflag:s22] =	ssyncadd.s32 s4;
	_ =	sdelay $0x1  }
0xa1: {  	s23 =	simm.s32 $0x1B8B  }
0xa2: {  	_ =	swait.ge [sflag:s23], $0x1  }
0xa3: {  	[sflag:s23] =	ssyncset.done $0x0  }
0xa4: {  	s25 =	simm.s32 $0x1B8E;
	s24 =	sld [smem:$0x3FFE];
	[sflag:s23] =	ssyncadd.s32 $0xFFFFFFFF  }
0xa5: {  	s26 =	simm.s32 $execute0_lowered;
	[smem:$0x3FD2] =	sst s25  }
0xa6: {  	s5 =	sshll.u32 s26, $0x1;
	_ =	strace $0x80000046;
	[dreg:$0x1] =	wrdreg $0xFFFFFFFF  }
0xa7: {  	s28 =	simm.s32 $_size_execute0_lowered;
	s3 =	sadd.s32 s3, s5;
	[dreg:$0x0] =	wrdreg $0x0  }
0xa8: {  	s5 =	sshll.u32 s28, $0x1;
	[dreg:$0x2] =	wrdreg s3  }
0xa9: {  	[dreg:$0x3] =	wrdreg s5  }
0xaa: {  	[dreg:$0x4] =	wrdreg $0xC0  }
0xab: {  	_ =	task [dreg:s7], $0x5FFFF  }
0xac: {  	[dreg:$0x1] =	wrdreg $0xFFFFFFFF  }
0xad: {  	[dreg:$0x0] =	wrdreg $0x60  }
0xae: {  	[dreg:$0x2] =	wrdreg s24  }
0xaf: {  	[dreg:$0x3] =	wrdreg s2  }
0xb0: {  	[dreg:$0x4] =	wrdreg $0x9  }
0xb1: {  	_ =	task.clear_ibuf [dreg:s7], $0x5FFFF;
	_ =	strace $0x90000046  }
0xb2: {  	s29 =	simm.s32 $0x9;
	_ =	strace $0x80000048  }
0xb3: {  	_ =	swait.ge [sflag:s29], $0x1  }
0xb4: {  	[sflag:s29] =	ssyncadd.s32 $0xFFFFFFFF  }
0xb5: {  	_ =	strace $0x90000048  }
0xb6: {  	_ =	sfence  }
0xb7: {  	s30 =	sld [smem:$0x0];
	_ =	sdelay $0x2  }
0xb8: {  	s31 =	sshll.u32 s1, $0xD;
	s1 =	sshrl.u32 s1, $0x2  }
0xb9: {  	s3 =	sand.u32 $0x4000, s31;
	s1 =	sadd.s32 s1, s30  }
0xba: {  	s0 =	sor.u32 s3, s0;
	s1 =	sshll.u32 s1, $0x11  }
0xbb: {  	s0 =	sor.u32 s1, s0  }
0xbc: {  	s0 =	sadd.s32 $0x8F2B, s0  }
0xbd: {  	[sflag:s0] =	ssyncadd.remote.s32 $0x1  }
0xbe: {  	_ =	sfence.sel $0xFFFF  }
0xbf: {  	[dreg:$0x0] =	wrdreg $0xFFFFFFFF;
	(pc) =	sbr.abs _section_cstart, $3  }
0xc0: {  	[dreg:$0x1] =	wrdreg $0xFFFFFFFF  }
0xc1: {  	_ =	task.clear_ibuf [dreg:s7], $0x2FFFF;
	_ =	strace $0x9FFFFFFF  }
0xc2: {  	(tm) =	ssettm $0x7FFFFFFF  }
0xc3: {  	_ =	shalt  }
tec
execute0_lowered:
.L_overlay_start_1:
0x0: {  	(tag) =	ssettag $0x1  }
0x1: {  	s0 =	rddreg [dreg:$0x0]  }
0x2: {  	s1 =	rddreg [dreg:$0x1];
	s3 =	simm.s32 $0x0  }
0x3: {  	s2 =	srdreg.scid;
	s4 =	stileid.u32;
	s10 =	simm.s32 $0x7  }
0x4: {  	s11 =	simm.s32 $0x3200;
	s12 =	simm.s32 $0x64;
	s13 =	simm.s32 $0x3268  }
0x5: {  	s14 =	simm.s32 $0x4FE0;
	s15 =	simm.s32 $0x32D0;
	s16 =	simm.s32 $0x68E0  }
0x6: {  	s17 =	simm.s32 $0x3338;
	s18 =	simm.s32 $0x81E0;
	s19 =	simm.s32 $0x5  }
0x7: {  	s20 =	simm.s32 $0x6;
	s21 =	simm.s32 $0x4;
	s22 =	simm.s32 $0x0  }
0x8: {  	[smem:$0x7FF] =	sst s3;
	s2 =	sand.u32 $0x1, s2;
	s5 =	sshll.u32 s4, $0x1  }
0x9: {  	s4 =	sadd.s32 $0xC00, s0;
	s7 =	ssub.s32 $0x2, s2;
	s2 =	sor.u32 s2, s5  }
0xa: {  	s6 =	sadd.s32 $0x1AC00, s0;
	s8 =	sshrl.u32 s7, $0x1;
	s9 =	smul.u32 $0xD00, s2  }
0xb: {  	_ =	strace $0x80000047;
	s5 =	sadd.s32 $0xF43000, s0;
	s31 =	ssub.s32 s7, s8  }
0xc: {  	s7 =	sshll.u32 s2, $0x6;
	s8 =	sadd.s32 s4, s9;
	s9 =	smax.u32 s31, $0x1  }
.LBB2_1:
0xd: {  	[tilespmem:s3], [sflag:$0x7] =	stream.linear.gather [hbm4b:s6+s3], $0x3200, $0x38;
	[tilespmem:$0x162E0] =	vst v63  }
0xe: {  	_ =	swait.ge [sflag:s10], $0x3200  }
0xf: {  	[sflag:s10] =	ssyncset.done $0x0  }
0x10: {  	[sflag:s10] =	ssyncadd.s32 $0xFFFFCE00  }
0x11: {  	[tilespmem:s11], [sflag:$0x7] =	stream.linear.gather [hbm4b:s8+s3], $0x1A0, $0x38;
	[tilespmem:$0x162E0] =	vst v63  }
0x12: {  	_ =	swait.ge [sflag:s10], $0x1A0  }
0x13: {  	[sflag:s10] =	ssyncset.done $0x0  }
0x14: {  	s23 =	simm.s32 $0x36E0;
	[sflag:s10] =	ssyncadd.s32 $0xFFFFFE60  }
0x15: {  	[tilespmem:s23], [sflag:$0x1] =	stream.indirect.gather [hbm4b:s5+s12], $0x40, s11, s12, $0xb8;
	[tilespmem:$0x162E0] =	vst v63  }
0x16: {  	_ = 	snop  }
0x17: {  	[tilespmem:s14], [sflag:$0x1] =	stream.indirect.gather [hbm4b:s5+s12], $0x40, s13, s12, $0xb8;
	[tilespmem:$0x162E0] =	vst v63  }
0x18: {  	_ = 	snop  }
0x19: {  	[tilespmem:s16], [sflag:$0x1] =	stream.indirect.gather [hbm4b:s5+s12], $0x40, s15, s12, $0xb8;
	[tilespmem:$0x162E0] =	vst v63  }
0x1a: {  	s24 =	simm.s32 $0x0  }
0x1b: {  	[tilespmem:s18], [sflag:$0x1] =	stream.indirect.gather [hbm4b:s5+s12], $0x40, s17, s12, $0xb8;
	[tilespmem:$0x162E0] =	vst v63  }
.LBB2_2:
0x1c: {  	s0 =	smul.u32 $0xAB, s24;
	_ =	sdelay $0x1  }
0x1d: {  	s2 =	sadd.s32 $0xAB, s0  }
0x1e: {  	s2 =	sshrl.u32 s2, $0x9  }
0x1f: {  	s2 =	sand.u32 $0x7F, s2  }
0x20: {  	s2 =	smul.u32 $0x3, s2  }
0x21: {  	s25 =	sadd.s32 $0x1, s24  }
0x22: {  	s2 =	ssub.s32 s25, s2  }
0x23: {  	p0 =	seq.s32 s24, $0x3F;
	s2 =	sand.u32 $0xFF, s2  }
0x24: {  	s28 =	sadd.s32 @!p0 s7, s25;
	s26 =	smul.u32 @!p0 $0x680, s2  }
0x25: {  	s28 =	smul.u32 @!p0 $0x34, s28  }
0x26: {  	s29 =	sshrl.u32 @!p0 s26, $0x2  }
0x27: {  	s30 =	simm.s32 @!p0 $0x0;
	s28 =	sadd.s32 @!p0 s4, s28;
	s26 =	sadd.s32 @!p0 $0x3200, s29  }
0x28: {  	[tilespmem:s26], [sflag:$0x7] =	stream.linear.gather @!p0 [hbm4b:s28+s30], $0x1A0, $0x38;
	[tilespmem:$0x162E0] =	vst v63  }
0x29: {  	s28 =	simm.s32 @!p0 $0x7  }
0x2a: {  	p1 =	slt.u32 @!p0 s24, $0x2;
	_ =	swait.ge @!p0 [sflag:s28], $0x1A0  }
0x2b: {  	p1 =	por p1, p0;
	[sflag:s28] =	ssyncset.done @!p0 $0x0  }
0x2c: {  	[sflag:s28] =	ssyncadd.s32 @!p0 $0xFFFFFE60;
	s28 =	sadd.s32 @!p1 $0x4, s2  }
0x2d: {  	s30 =	smul.u32 @!p0 $0x19000, s2;
	_ =	swait.ge @!p1 [sflag:s28], $0x6400  }
0x2e: {  	s31 =	simm.s32 @!p0 $0x64;
	[sflag:s28] =	ssyncset.done @!p1 $0x0  }
0x2f: {  	s0 =	sshrl.u32 s0, $0x9;
	[sflag:s28] =	ssyncadd.s32 @!p1 $0xFFFF9C00;
	s28 =	sshrl.u32 @!p0 s30, $0x2  }
0x30: {  	s0 =	sand.u32 $0x7F, s0;
	s2 =	sadd.s32 @!p0 $0x1, s2;
	s30 =	sadd.s32 @!p0 $0x36E0, s28  }
0x31: {  	[tilespmem:s30], [sflag:s2] =	stream.indirect.gather @!p0 [hbm4b:s5+s31], $0x40, s26, s31, $0xb8;
	[tilespmem:$0x162E0] =	vst v63  }
0x32: {  	s0 =	smul.u32 $0x3, s0;
	s26 =	sadd.s32 @!p0 $0x4FE0, s28;
	s30 =	sadd.s32 @!p0 $0x3268, s29  }
0x33: {  	[tilespmem:s26], [sflag:s2] =	stream.indirect.gather @!p0 [hbm4b:s5+s31], $0x40, s30, s31, $0xb8;
	[tilespmem:$0x162E0] =	vst v63  }
0x34: {  	s0 =	ssub.s32 s24, s0;
	s26 =	sadd.s32 @!p0 $0x68E0, s28;
	s30 =	sadd.s32 @!p0 $0x32D0, s29  }
0x35: {  	[tilespmem:s26], [sflag:s2] =	stream.indirect.gather @!p0 [hbm4b:s5+s31], $0x40, s30, s31, $0xb8;
	[tilespmem:$0x162E0] =	vst v63  }
0x36: {  	s26 =	sand.u32 $0xFF, s0;
	s0 =	sadd.s32 @!p0 $0x81E0, s28;
	s28 =	sadd.s32 @!p0 $0x3338, s29  }
0x37: {  	[tilespmem:s0], [sflag:s2] =	stream.indirect.gather @!p0 [hbm4b:s5+s31], $0x40, s28, s31, $0xb8;
	[tilespmem:$0x162E0] =	vst v63  }
0x38: {  	s0 =	sadd.s32 $0x1, s26  }
0x39: {  	_ =	swait.ge [sflag:s0], $0x1900  }
0x3a: {  	[sflag:s0] =	ssyncset.done $0x0  }
0x3b: {  	[sflag:s0] =	ssyncadd.s32 $0xFFFFE700  }
0x3c: {  	_ =	swait.ge [sflag:s0], $0x1900  }
0x3d: {  	[sflag:s0] =	ssyncset.done $0x0  }
0x3e: {  	[sflag:s0] =	ssyncadd.s32 $0xFFFFE700  }
0x3f: {  	_ =	swait.ge [sflag:s0], $0x1900  }
0x40: {  	[sflag:s0] =	ssyncset.done $0x0  }
0x41: {  	[sflag:s0] =	ssyncadd.s32 $0xFFFFE700  }
0x42: {  	s2 =	smulhi.u32 $0xAAAAAAAB, s24;
	_ =	swait.ge [sflag:s0], $0x1900  }
0x43: {  	[sflag:s0] =	ssyncset.done $0x0  }
0x44: {  	s29 =	simm.s32 $0x0;
	s2 =	sshrl.u32 s2, $0x1;
	[sflag:s0] =	ssyncadd.s32 $0xFFFFE700  }
0x45: {  	s2 =	smul.u32 $0xFFFB5000, s2;
	v0 =	vld [tilespmem:s29+$0x0];
	_ =	sdelay $0x1  }
0x46: {  	s0 =	sshra.s32 s2, $0x2  }
0x47: {  	s30 =	sadd.s32 s0, s23  }
0x48: {  	s28 =	sadd.s32 $0x0, s30  }
0x49: {  	[tilespmem:s28+$0x0] =	vst.add.f32.msk $0xffff, v0  }
0x4a: {  	[tilespmem:s28+$0x3200] =	vst.add.f32.msk $0xffff, v0  }
0x4b: {  	v0 =	vld [tilespmem:s29+$0x10];
	_ =	sdelay $0x4  }
0x4c: {  	[tilespmem:s28+$0x10] =	vst.add.f32.msk $0xffff, v0  }
0x4d: {  	[tilespmem:s28+$0x3210] =	vst.add.f32.msk $0xffff, v0  }
0x4e: {  	v0 =	vld [tilespmem:s29+$0x20];
	_ =	sdelay $0x4  }
0x4f: {  	[tilespmem:s28+$0x20] =	vst.add.f32.msk $0xffff, v0  }
0x50: {  	[tilespmem:s28+$0x3220] =	vst.add.f32.msk $0xffff, v0  }
0x51: {  	v0 =	vld [tilespmem:s29+$0x30];
	_ =	sdelay $0x4  }
0x52: {  	[tilespmem:s28+$0x30] =	vst.add.f32.msk $0xffff, v0  }
0x53: {  	[tilespmem:s28+$0x3230] =	vst.add.f32.msk $0xffff, v0  }
0x54: {  	v0 =	vld [tilespmem:s29+$0x40];
	_ =	sdelay $0x4  }
0x55: {  	[tilespmem:s28+$0x40] =	vst.add.f32.msk $0xffff, v0  }
0x56: {  	[tilespmem:s28+$0x3240] =	vst.add.f32.msk $0xffff, v0  }
0x57: {  	v0 =	vld [tilespmem:s29+$0x50];
	_ =	sdelay $0x4  }
0x58: {  	[tilespmem:s28+$0x50] =	vst.add.f32.msk $0xffff, v0  }
0x59: {  	[tilespmem:s28+$0x3250] =	vst.add.f32.msk $0xffff, v0  }
0x5a: {  	v0 =	vld [tilespmem:s29+$0x60];
	_ =	sdelay $0x4  }
0x5b: {  	[tilespmem:s28+$0x60] =	vst.add.f32.msk $0xffff, v0  }
0x5c: {  	[tilespmem:s28+$0x3260] =	vst.add.f32.msk $0xffff, v0  }
0x5d: {  	v0 =	vld [tilespmem:s29+$0x70];
	_ =	sdelay $0x4  }
0x5e: {  	[tilespmem:s28+$0x70] =	vst.add.f32.msk $0xffff, v0  }
0x5f: {  	[tilespmem:s28+$0x3270] =	vst.add.f32.msk $0xffff, v0  }
0x60: {  	v0 =	vld [tilespmem:s29+$0x80];
	_ =	sdelay $0x4  }
0x61: {  	[tilespmem:s28+$0x80] =	vst.add.f32.msk $0xffff, v0  }
0x62: {  	[tilespmem:s28+$0x3280] =	vst.add.f32.msk $0xffff, v0  }
0x63: {  	v0 =	vld [tilespmem:s29+$0x90];
	_ =	sdelay $0x4  }
0x64: {  	[tilespmem:s28+$0x90] =	vst.add.f32.msk $0xffff, v0  }
0x65: {  	[tilespmem:s28+$0x3290] =	vst.add.f32.msk $0xffff, v0  }
0x66: {  	v0 =	vld [tilespmem:s29+$0xA0];
	_ =	sdelay $0x4  }
0x67: {  	[tilespmem:s28+$0xA0] =	vst.add.f32.msk $0xffff, v0  }
0x68: {  	[tilespmem:s28+$0x32A0] =	vst.add.f32.msk $0xffff, v0  }
0x69: {  	v0 =	vld [tilespmem:s29+$0xB0];
	_ =	sdelay $0x4  }
0x6a: {  	[tilespmem:s28+$0xB0] =	vst.add.f32.msk $0xffff, v0  }
0x6b: {  	[tilespmem:s28+$0x32B0] =	vst.add.f32.msk $0xffff, v0  }
0x6c: {  	v0 =	vld [tilespmem:s29+$0xC0];
	_ =	sdelay $0x4  }
0x6d: {  	[tilespmem:s28+$0xC0] =	vst.add.f32.msk $0xffff, v0  }
0x6e: {  	[tilespmem:s28+$0x32C0] =	vst.add.f32.msk $0xffff, v0  }
0x6f: {  	v0 =	vld [tilespmem:s29+$0xD0];
	_ =	sdelay $0x4  }
0x70: {  	[tilespmem:s28+$0xD0] =	vst.add.f32.msk $0xffff, v0  }
0x71: {  	[tilespmem:s28+$0x32D0] =	vst.add.f32.msk $0xffff, v0  }
0x72: {  	v0 =	vld [tilespmem:s29+$0xE0];
	_ =	sdelay $0x4  }
0x73: {  	[tilespmem:s28+$0xE0] =	vst.add.f32.msk $0xffff, v0  }
0x74: {  	[tilespmem:s28+$0x32E0] =	vst.add.f32.msk $0xffff, v0  }
0x75: {  	v0 =	vld [tilespmem:s29+$0xF0];
	_ =	sdelay $0x4  }
0x76: {  	[tilespmem:s28+$0xF0] =	vst.add.f32.msk $0xffff, v0  }
0x77: {  	[tilespmem:s28+$0x32F0] =	vst.add.f32.msk $0xffff, v0  }
0x78: {  	v0 =	vld [tilespmem:s29+$0x100];
	_ =	sdelay $0x4  }
0x79: {  	[tilespmem:s28+$0x100] =	vst.add.f32.msk $0xffff, v0  }
0x7a: {  	[tilespmem:s28+$0x3300] =	vst.add.f32.msk $0xffff, v0  }
0x7b: {  	v0 =	vld [tilespmem:s29+$0x110];
	_ =	sdelay $0x4  }
0x7c: {  	[tilespmem:s28+$0x110] =	vst.add.f32.msk $0xffff, v0  }
0x7d: {  	[tilespmem:s28+$0x3310] =	vst.add.f32.msk $0xffff, v0  }
0x7e: {  	v0 =	vld [tilespmem:s29+$0x120];
	_ =	sdelay $0x4  }
0x7f: {  	[tilespmem:s28+$0x120] =	vst.add.f32.msk $0xffff, v0  }
0x80: {  	[tilespmem:s28+$0x3320] =	vst.add.f32.msk $0xffff, v0  }
0x81: {  	v0 =	vld [tilespmem:s29+$0x130];
	_ =	sdelay $0x4  }
0x82: {  	[tilespmem:s28+$0x130] =	vst.add.f32.msk $0xffff, v0  }
0x83: {  	[tilespmem:s28+$0x3330] =	vst.add.f32.msk $0xffff, v0  }
0x84: {  	v0 =	vld [tilespmem:s29+$0x140];
	_ =	sdelay $0x4  }
0x85: {  	[tilespmem:s28+$0x140] =	vst.add.f32.msk $0xffff, v0  }
0x86: {  	[tilespmem:s28+$0x3340] =	vst.add.f32.msk $0xffff, v0  }
0x87: {  	v0 =	vld [tilespmem:s29+$0x150];
	_ =	sdelay $0x4  }
0x88: {  	[tilespmem:s28+$0x150] =	vst.add.f32.msk $0xffff, v0  }
0x89: {  	[tilespmem:s28+$0x3350] =	vst.add.f32.msk $0xffff, v0  }
0x8a: {  	v0 =	vld [tilespmem:s29+$0x160];
	_ =	sdelay $0x4  }
0x8b: {  	[tilespmem:s28+$0x160] =	vst.add.f32.msk $0xffff, v0  }
0x8c: {  	[tilespmem:s28+$0x3360] =	vst.add.f32.msk $0xffff, v0  }
0x8d: {  	v0 =	vld [tilespmem:s29+$0x170];
	_ =	sdelay $0x4  }
0x8e: {  	[tilespmem:s28+$0x170] =	vst.add.f32.msk $0xffff, v0  }
0x8f: {  	[tilespmem:s28+$0x3370] =	vst.add.f32.msk $0xffff, v0  }
0x90: {  	v0 =	vld [tilespmem:s29+$0x180];
	_ =	sdelay $0x4  }
0x91: {  	[tilespmem:s28+$0x180] =	vst.add.f32.msk $0xffff, v0  }
0x92: {  	[tilespmem:s28+$0x3380] =	vst.add.f32.msk $0xffff, v0  }
0x93: {  	v0 =	vld [tilespmem:s29+$0x190];
	_ =	sdelay $0x4  }
0x94: {  	[tilespmem:s28+$0x190] =	vst.add.f32.msk $0xffff, v0  }
0x95: {  	[tilespmem:s28+$0x3390] =	vst.add.f32.msk $0xffff, v0  }
0x96: {  	v0 =	vld [tilespmem:s29+$0x1A0];
	_ =	sdelay $0x3  }
0x97: {  	s2 =	smul.u32 $0x19000, s26  }
0x98: {  	[tilespmem:s28+$0x1A0] =	vst.add.f32.msk $0xffff, v0  }
0x99: {  	s0 =	sshrl.u32 s2, $0x2;
	[tilespmem:s28+$0x33A0] =	vst.add.f32.msk $0xffff, v0  }
0x9a: {  	s2 =	simm.s32 $0x0;
	s31 =	sadd.s32 $0x36E0, s0;
	s0 =	simm.s32 $0x0;
	v0 =	vld [tilespmem:s29+$0x1B0]  }
.LBB2_3:
0x9b: {  	_ = 	snop  }
0x9c: {  	s2 =	sadd.s32 $0x2, s2;
	s0 =	sadd.s32 $0x800, s0  }
0x9d: {  	p0 =	slt.u32 s2, $0x30;
	_ =	sdelay $0x1  }
0x9e: {  	[tilespmem:s28+$0x1B0] =	vst.add.f32.msk $0xffff, v0  }
0x9f: {  	[tilespmem:s28+$0x33B0] =	vst.add.f32.msk $0xffff, v0  }
0xa0: {  	v0 =	vld [tilespmem:s29+$0x1C0];
	_ =	sdelay $0x4  }
0xa1: {  	[tilespmem:s28+$0x1C0] =	vst.add.f32.msk $0xffff, v0  }
0xa2: {  	[tilespmem:s28+$0x33C0] =	vst.add.f32.msk $0xffff, v0  }
0xa3: {  	v0 =	vld [tilespmem:s29+$0x1D0];
	_ =	sdelay $0x4  }
0xa4: {  	[tilespmem:s28+$0x1D0] =	vst.add.f32.msk $0xffff, v0  }
0xa5: {  	[tilespmem:s28+$0x33D0] =	vst.add.f32.msk $0xffff, v0  }
0xa6: {  	v0 =	vld [tilespmem:s29+$0x1E0];
	_ =	sdelay $0x4  }
0xa7: {  	[tilespmem:s28+$0x1E0] =	vst.add.f32.msk $0xffff, v0  }
0xa8: {  	[tilespmem:s28+$0x33E0] =	vst.add.f32.msk $0xffff, v0  }
0xa9: {  	v0 =	vld [tilespmem:s29+$0x1F0];
	_ =	sdelay $0x4  }
0xaa: {  	[tilespmem:s28+$0x1F0] =	vst.add.f32.msk $0xffff, v0  }
0xab: {  	s29 =	sshra.s32 s0, $0x2;
	[tilespmem:s28+$0x33F0] =	vst.add.f32.msk $0xffff, v0  }
0xac: {  	v0 =	vld [tilespmem:s29+$0x0];
	_ =	sdelay $0x3  }
0xad: {  	s28 =	sadd.s32 s29, s30  }
0xae: {  	[tilespmem:s28+$0x0] =	vst.add.f32.msk $0xffff, v0  }
0xaf: {  	[tilespmem:s28+$0x3200] =	vst.add.f32.msk $0xffff, v0  }
0xb0: {  	v0 =	vld [tilespmem:s29+$0x10];
	_ =	sdelay $0x4  }
0xb1: {  	[tilespmem:s28+$0x10] =	vst.add.f32.msk $0xffff, v0  }
0xb2: {  	[tilespmem:s28+$0x3210] =	vst.add.f32.msk $0xffff, v0  }
0xb3: {  	v0 =	vld [tilespmem:s29+$0x20];
	_ =	sdelay $0x4  }
0xb4: {  	[tilespmem:s28+$0x20] =	vst.add.f32.msk $0xffff, v0  }
0xb5: {  	[tilespmem:s28+$0x3220] =	vst.add.f32.msk $0xffff, v0  }
0xb6: {  	v0 =	vld [tilespmem:s29+$0x30];
	_ =	sdelay $0x4  }
0xb7: {  	[tilespmem:s28+$0x30] =	vst.add.f32.msk $0xffff, v0  }
0xb8: {  	[tilespmem:s28+$0x3230] =	vst.add.f32.msk $0xffff, v0  }
0xb9: {  	v0 =	vld [tilespmem:s29+$0x40];
	_ =	sdelay $0x4  }
0xba: {  	[tilespmem:s28+$0x40] =	vst.add.f32.msk $0xffff, v0  }
0xbb: {  	[tilespmem:s28+$0x3240] =	vst.add.f32.msk $0xffff, v0  }
0xbc: {  	v0 =	vld [tilespmem:s29+$0x50];
	_ =	sdelay $0x4  }
0xbd: {  	[tilespmem:s28+$0x50] =	vst.add.f32.msk $0xffff, v0  }
0xbe: {  	[tilespmem:s28+$0x3250] =	vst.add.f32.msk $0xffff, v0  }
0xbf: {  	v0 =	vld [tilespmem:s29+$0x60];
	_ =	sdelay $0x4  }
0xc0: {  	[tilespmem:s28+$0x60] =	vst.add.f32.msk $0xffff, v0  }
0xc1: {  	[tilespmem:s28+$0x3260] =	vst.add.f32.msk $0xffff, v0  }
0xc2: {  	v0 =	vld [tilespmem:s29+$0x70];
	_ =	sdelay $0x4  }
0xc3: {  	[tilespmem:s28+$0x70] =	vst.add.f32.msk $0xffff, v0  }
0xc4: {  	[tilespmem:s28+$0x3270] =	vst.add.f32.msk $0xffff, v0  }
0xc5: {  	v0 =	vld [tilespmem:s29+$0x80];
	_ =	sdelay $0x4  }
0xc6: {  	[tilespmem:s28+$0x80] =	vst.add.f32.msk $0xffff, v0  }
0xc7: {  	[tilespmem:s28+$0x3280] =	vst.add.f32.msk $0xffff, v0  }
0xc8: {  	v0 =	vld [tilespmem:s29+$0x90];
	_ =	sdelay $0x4  }
0xc9: {  	[tilespmem:s28+$0x90] =	vst.add.f32.msk $0xffff, v0  }
0xca: {  	[tilespmem:s28+$0x3290] =	vst.add.f32.msk $0xffff, v0  }
0xcb: {  	v0 =	vld [tilespmem:s29+$0xA0];
	_ =	sdelay $0x4  }
0xcc: {  	[tilespmem:s28+$0xA0] =	vst.add.f32.msk $0xffff, v0  }
0xcd: {  	[tilespmem:s28+$0x32A0] =	vst.add.f32.msk $0xffff, v0  }
0xce: {  	v0 =	vld [tilespmem:s29+$0xB0];
	_ =	sdelay $0x4  }
0xcf: {  	[tilespmem:s28+$0xB0] =	vst.add.f32.msk $0xffff, v0  }
0xd0: {  	[tilespmem:s28+$0x32B0] =	vst.add.f32.msk $0xffff, v0  }
0xd1: {  	v0 =	vld [tilespmem:s29+$0xC0];
	_ =	sdelay $0x4  }
0xd2: {  	[tilespmem:s28+$0xC0] =	vst.add.f32.msk $0xffff, v0  }
0xd3: {  	[tilespmem:s28+$0x32C0] =	vst.add.f32.msk $0xffff, v0  }
0xd4: {  	v0 =	vld [tilespmem:s29+$0xD0];
	_ =	sdelay $0x4  }
0xd5: {  	[tilespmem:s28+$0xD0] =	vst.add.f32.msk $0xffff, v0  }
0xd6: {  	[tilespmem:s28+$0x32D0] =	vst.add.f32.msk $0xffff, v0  }
0xd7: {  	v0 =	vld [tilespmem:s29+$0xE0];
	_ =	sdelay $0x4  }
0xd8: {  	[tilespmem:s28+$0xE0] =	vst.add.f32.msk $0xffff, v0  }
0xd9: {  	[tilespmem:s28+$0x32E0] =	vst.add.f32.msk $0xffff, v0  }
0xda: {  	v0 =	vld [tilespmem:s29+$0xF0];
	_ =	sdelay $0x4  }
0xdb: {  	[tilespmem:s28+$0xF0] =	vst.add.f32.msk $0xffff, v0  }
0xdc: {  	[tilespmem:s28+$0x32F0] =	vst.add.f32.msk $0xffff, v0  }
0xdd: {  	v0 =	vld [tilespmem:s29+$0x100];
	_ =	sdelay $0x4  }
0xde: {  	[tilespmem:s28+$0x100] =	vst.add.f32.msk $0xffff, v0  }
0xdf: {  	[tilespmem:s28+$0x3300] =	vst.add.f32.msk $0xffff, v0  }
0xe0: {  	v0 =	vld [tilespmem:s29+$0x110];
	_ =	sdelay $0x4  }
0xe1: {  	[tilespmem:s28+$0x110] =	vst.add.f32.msk $0xffff, v0  }
0xe2: {  	[tilespmem:s28+$0x3310] =	vst.add.f32.msk $0xffff, v0  }
0xe3: {  	v0 =	vld [tilespmem:s29+$0x120];
	_ =	sdelay $0x4  }
0xe4: {  	[tilespmem:s28+$0x120] =	vst.add.f32.msk $0xffff, v0  }
0xe5: {  	[tilespmem:s28+$0x3320] =	vst.add.f32.msk $0xffff, v0  }
0xe6: {  	v0 =	vld [tilespmem:s29+$0x130];
	_ =	sdelay $0x4  }
0xe7: {  	[tilespmem:s28+$0x130] =	vst.add.f32.msk $0xffff, v0  }
0xe8: {  	[tilespmem:s28+$0x3330] =	vst.add.f32.msk $0xffff, v0  }
0xe9: {  	v0 =	vld [tilespmem:s29+$0x140];
	_ =	sdelay $0x4  }
0xea: {  	[tilespmem:s28+$0x140] =	vst.add.f32.msk $0xffff, v0  }
0xeb: {  	[tilespmem:s28+$0x3340] =	vst.add.f32.msk $0xffff, v0  }
0xec: {  	v0 =	vld [tilespmem:s29+$0x150];
	_ =	sdelay $0x4  }
0xed: {  	[tilespmem:s28+$0x150] =	vst.add.f32.msk $0xffff, v0  }
0xee: {  	[tilespmem:s28+$0x3350] =	vst.add.f32.msk $0xffff, v0  }
0xef: {  	v0 =	vld [tilespmem:s29+$0x160];
	_ =	sdelay $0x4  }
0xf0: {  	[tilespmem:s28+$0x160] =	vst.add.f32.msk $0xffff, v0  }
0xf1: {  	[tilespmem:s28+$0x3360] =	vst.add.f32.msk $0xffff, v0  }
0xf2: {  	v0 =	vld [tilespmem:s29+$0x170];
	_ =	sdelay $0x4  }
0xf3: {  	[tilespmem:s28+$0x170] =	vst.add.f32.msk $0xffff, v0  }
0xf4: {  	[tilespmem:s28+$0x3370] =	vst.add.f32.msk $0xffff, v0  }
0xf5: {  	v0 =	vld [tilespmem:s29+$0x180];
	_ =	sdelay $0x4  }
0xf6: {  	[tilespmem:s28+$0x180] =	vst.add.f32.msk $0xffff, v0  }
0xf7: {  	[tilespmem:s28+$0x3380] =	vst.add.f32.msk $0xffff, v0  }
0xf8: {  	v0 =	vld [tilespmem:s29+$0x190];
	_ =	sdelay $0x4  }
0xf9: {  	[tilespmem:s28+$0x190] =	vst.add.f32.msk $0xffff, v0  }
0xfa: {  	[tilespmem:s28+$0x3390] =	vst.add.f32.msk $0xffff, v0  }
0xfb: {  	v0 =	vld [tilespmem:s29+$0x1A0];
	_ =	sdelay $0x2  }
.Ltmp0:
0xfc: {  	(pc) =	sbr.rel @p0 .LBB2_3-.Ltmp0, $4  }
0xfd: {  	_ = 	snop  }
0xfe: {  	[tilespmem:s28+$0x1A0] =	vst.add.f32.msk $0xffff, v0  }
0xff: {  	[tilespmem:s28+$0x33A0] =	vst.add.f32.msk $0xffff, v0  }
0x100: {  	v0 =	vld [tilespmem:s29+$0x1B0]  }
0x101: {  	_ =	sdelay $0x3  }
0x102: {  	[tilespmem:s28+$0x1B0] =	vst.add.f32.msk $0xffff, v0  }
0x103: {  	[tilespmem:s28+$0x33B0] =	vst.add.f32.msk $0xffff, v0  }
0x104: {  	v0 =	vld [tilespmem:s29+$0x1C0];
	_ =	sdelay $0x4  }
0x105: {  	[tilespmem:s28+$0x1C0] =	vst.add.f32.msk $0xffff, v0  }
0x106: {  	[tilespmem:s28+$0x33C0] =	vst.add.f32.msk $0xffff, v0  }
0x107: {  	v0 =	vld [tilespmem:s29+$0x1D0];
	_ =	sdelay $0x4  }
0x108: {  	[tilespmem:s28+$0x1D0] =	vst.add.f32.msk $0xffff, v0  }
0x109: {  	[tilespmem:s28+$0x33D0] =	vst.add.f32.msk $0xffff, v0  }
0x10a: {  	v0 =	vld [tilespmem:s29+$0x1E0];
	_ =	sdelay $0x4  }
0x10b: {  	[tilespmem:s28+$0x1E0] =	vst.add.f32.msk $0xffff, v0  }
0x10c: {  	[tilespmem:s28+$0x33E0] =	vst.add.f32.msk $0xffff, v0  }
0x10d: {  	v0 =	vld [tilespmem:s29+$0x1F0];
	_ =	sdelay $0x1  }
0x10e: {  	p0 =	sne.s32 s25, $0x40  }
.Ltmp1:
0x10f: {  	s0 =	sadd.s32 s7, s24;
	(pc) =	sbr.rel @p0 .LBB2_2-.Ltmp1, $4  }
0x110: {  	s0 =	smul.u32 $0xC80, s0  }
0x111: {  	s2 =	sadd.s32 $0x4, s26;
	[tilespmem:s28+$0x1F0] =	vst.add.f32.msk $0xffff, v0  }
0x112: {  	s23 =	sadd.s32 $0x6400, s23;
	s24 =	smov.u32 s25;
	s0 =	sadd.s32 s1, s0;
	[tilespmem:s28+$0x33F0] =	vst.add.f32.msk $0xffff, v0  }
0x113: {  	[hbm4b:s0+s3] =	stream.linear.scatter [tilespmem:s31], [sflag:s2], $0x6400, $0x38;
	[tilespmem:$0x162E0] =	vst v63  }
0x114: {  	_ =	swait.ge [sflag:s19], $0x6400  }
0x115: {  	[sflag:s19] =	ssyncset.done $0x0  }
0x116: {  	s22 =	sadd.s32 $0x1, s22;
	[sflag:s19] =	ssyncadd.s32 $0xFFFF9C00  }
0x117: {  	p0 =	sne.s32 s22, s9;
	_ =	swait.ge [sflag:s20], $0x6400  }
.Ltmp2:
0x118: {  	[sflag:s20] =	ssyncset.done $0x0;
	(pc) =	sbr.rel @p0 .LBB2_1-.Ltmp2, $4  }
0x119: {  	[sflag:s20] =	ssyncadd.s32 $0xFFFF9C00  }
0x11a: {  	_ =	swait.ge [sflag:s21], $0x6400  }
0x11b: {  	[sflag:s21] =	ssyncset.done $0x0  }
0x11c: {  	[sflag:s21] =	ssyncadd.s32 $0xFFFF9C00  }
0x11d: {  	_ =	sfence.sel $0x180000  }
0x11e: {  	[bflag:$0x0] =	sbarrier.arrive $0xFFFF  }
0x11f: {  	_ =	strace $0x90000047  }
0x120: {  	s0 =	stileid.u32;
	[bflag:$0x2] =	sbarrier.arrive $0xFFFF  }
0x121: {  	p0 =	sne.s32 s0, $0x0;
	s0 =	rddreg [dreg:$0x2]  }
0x122: {  	s0 =	sadd.s32 @!p0 $0x100000, s0  }
0x123: {  	[sflag:s0] =	ssyncadd.tile.s32 @!p0 $0x1;
	_ =	shalt  }
.Lfunc_end2:
_tile_overlayer_lowered:
.L_overlay_start_2:
0x124: {  	(tag) =	ssettag $0x2  }
0x125: {  	s0 =	rddreg [dreg:$0x0];
	s2 =	stileid.u32  }
0x126: {  	s1 =	rddreg [dreg:$0x1];
	p0 =	sne.s32 s2, $0x0  }
0x127: {  	s3 =	rddreg [dreg:$0x2];
	[bflag:$0x3] =	sbarrier.arrive $0xFFFF;
	s2 =	simm.s32 @!p0 $0x1C07  }
0x128: {  	[timem:s3], [sflag:s2] =	dma.local @!p0 [hbm:s0], s1  }
0x129: {  	s0 =	simm.s32 @!p0 $0x7  }
0x12a: {  	_ =	swait.ge @!p0 [sflag:s0], s1  }
0x12b: {  	s1 =	ssub.s32 @!p0 $0x0, s1;
	[sflag:s0] =	ssyncset.done @!p0 $0x0  }
0x12c: {  	[sflag:s0] =	ssyncadd.s32 @!p0 s1  }
0x12d: {  	[bflag:$0x3] =	sbarrier.arrive $0xFFFF  }
0x12e: {  	_ =	shalt  }

// kernel: sparse-core-data-format-call.cloned.1.call-start
scs
called_computation_lowered:
.L_overlay_start_0:
0x0: {  	s2 =	sld [smem:$0x3FD9]  }
0x1: {  	s3 =	sld [smem:$0x3FFE];
	_ =	sdelay $0x1  }
0x2: {  	s1 =	srdreg.scid  }
0x3: {  	s0 =	sand.u32 $0x1, s1  }
0x4: {  	s18 =	sshll.u32 s0, $0xA;
	s2 =	sadd.s32 s3, s2  }
0x5: {  	s2 =	sadd.s32 s2, s18  }
0x6: {  	[smem:$0x3FC5] =	sst s2  }
0x7: {  	_ = 	snop  }
0x8: {  	s2 =	sld [smem:$0x3FD0];
	(tm) =	ssettm $0x1  }
0x9: {  	s19 =	sld [smem:$0x3FFB];
	_ =	sdelay $0x3  }
0xa: {  	_ =	strace s19  }
0xb: {  	s3 =	sld [smem:$0x3FFC];
	_ =	sdelay $0x3  }
0xc: {  	_ =	strace s3  }
0xd: {  	s3 =	sld [smem:$0x3FFD];
	_ =	sdelay $0x3  }
0xe: {  	_ =	strace s3  }
0xf: {  	_ =	strace $0x8FFFFFFF  }
0x10: {  	s20 =	sld [smem:$0x3FDB];
	_ =	sdelay $0x1  }
0x11: {  	s4 =	simm.s32 $_scs_section_size  }
0x12: {  	s5 =	simm.s32 $_size__tile_overlayer_lowered;
	s6 =	simm.s32 $_tile_overlayer_lowered  }
0x13: {  	s23 =	simm.s32 $0x1BFF;
	s22 =	sshll.u32 s6, $0x1;
	s3 =	sadd.s32 s4, s20  }
0x14: {  	s7 =	simm.s32 $0x0;
	s21 =	sshll.u32 s5, $0x1;
	s5 =	sadd.s32 s22, s3  }
0x15: {  	[timem:s7], [sflag:s23] =	dma.local [hbm:s5], s21  }
0x16: {  	_ =	swait.ge [sflag:s23], s21  }
0x17: {  	s4 =	ssub.s32 $0x0, s21;
	[sflag:s23] =	ssyncset.done $0x0  }
0x18: {  	[sflag:s23] =	ssyncadd.s32 s4;
	_ =	sdelay $0x1  }
0x19: {  	s24 =	simm.s32 $0x1B8B  }
0x1a: {  	_ =	swait.ge [sflag:s24], $0x1  }
0x1b: {  	[sflag:s24] =	ssyncset.done $0x0  }
0x1c: {  	s26 =	simm.s32 $0x1B8E;
	s25 =	sld [smem:$0x3FFE];
	[sflag:s24] =	ssyncadd.s32 $0xFFFFFFFF  }
0x1d: {  	s27 =	simm.s32 $execute0_lowered;
	[smem:$0x3FD2] =	sst s26  }
0x1e: {  	s5 =	sshll.u32 s27, $0x1;
	_ =	strace $0x80000049;
	[dreg:$0x1] =	wrdreg $0xFFFFFFFF  }
0x1f: {  	s28 =	simm.s32 $_size_execute0_lowered;
	s3 =	sadd.s32 s3, s5;
	[dreg:$0x0] =	wrdreg $0x0  }
0x20: {  	s5 =	sshll.u32 s28, $0x1;
	[dreg:$0x2] =	wrdreg s3  }
0x21: {  	[dreg:$0x3] =	wrdreg s5  }
0x22: {  	[dreg:$0x4] =	wrdreg $0xC0  }
0x23: {  	_ =	task [dreg:s7], $0x5FFFF  }
0x24: {  	[dreg:$0x1] =	wrdreg $0xFFFFFFFF  }
0x25: {  	[dreg:$0x0] =	wrdreg $0x60  }
0x26: {  	[dreg:$0x2] =	wrdreg s25  }
0x27: {  	[dreg:$0x3] =	wrdreg s2  }
0x28: {  	[dreg:$0x4] =	wrdreg $0x9  }
0x29: {  	_ =	task.clear_ibuf [dreg:s7], $0x5FFFF;
	_ =	strace $0x90000049  }
0x2a: {  	s29 =	simm.s32 $0x9;
	_ =	strace $0x8000004B  }
0x2b: {  	_ =	swait.ge [sflag:s29], $0x1  }
0x2c: {  	[sflag:s29] =	ssyncadd.s32 $0xFFFFFFFF  }
0x2d: {  	_ =	strace $0x9000004B  }
0x2e: {  	_ =	sfence  }
0x2f: {  	s30 =	sld [smem:$0x0];
	_ =	sdelay $0x2  }
0x30: {  	s31 =	sshll.u32 s1, $0xD;
	s1 =	sshrl.u32 s1, $0x2  }
0x31: {  	s3 =	sand.u32 $0x4000, s31;
	s1 =	sadd.s32 s1, s30  }
0x32: {  	s0 =	sor.u32 s3, s0;
	s1 =	sshll.u32 s1, $0x11  }
0x33: {  	s0 =	sor.u32 s1, s0  }
0x34: {  	s0 =	sadd.s32 $0x8F2B, s0  }
0x35: {  	[sflag:s0] =	ssyncadd.remote.s32 $0x1  }
0x36: {  	_ =	sfence.sel $0xFFFF  }
0x37: {  	[dreg:$0x0] =	wrdreg $0xFFFFFFFF;
	(pc) =	sbr.abs _section_cstart, $3  }
0x38: {  	[dreg:$0x1] =	wrdreg $0xFFFFFFFF  }
0x39: {  	_ =	task.clear_ibuf [dreg:s7], $0x2FFFF;
	_ =	strace $0x9FFFFFFF  }
0x3a: {  	(tm) =	ssettm $0x7FFFFFFF  }
0x3b: {  	_ =	shalt  }
tec
execute0_lowered:
.L_overlay_start_1:
0x0: {  	(tag) =	ssettag $0x1  }
0x1: {  	s0 =	srdreg.scid  }
0x2: {  	s1 =	sshll.u32 s0, $0x4  }
0x3: {  	s4 =	rddreg [dreg:$0x0];
	s0 =	stileid.u32;
	s1 =	sand.u32 $0x10, s1  }
0x4: {  	s2 =	rddreg [dreg:$0x1];
	s7 =	simm.s32 $0x1;
	s1 =	sor.u32 s0, s1  }
0x5: {  	s8 =	simm.s32 $0x2;
	s11 =	simm.s32 $0x0;
	s3 =	sshll.u32 s1, $0x7  }
0x6: {  	s10 =	simm.s32 $0x0;
	s4 =	sadd.s32 $0xC00, s4;
	s6 =	ssub.s32 $0xC8000, s3  }
.Ltmp0:
0x7: {  	s1 =	rddreg [dreg:$0x2];
	s5 =	sand.u32 $0xF80, s6;
	(pc) =	sbr.rel .LBB1_1-.Ltmp0, $4  }
0x8: {  	_ =	strace $0x8000004A;
	s9 =	smov.u32 s3;
	p0 =	sne.s32 s5, $0x0  }
0x9: {  	s6 =	sshrl.u32 s6, $0xC;
	s5 =	simm.s32 $0x1;
	s7 =	simm.s32 @!p0 $0x0  }
0xa: {  	[sflag:s5] =	ssyncpa.u1 $0x0;
	p0 =	por $0x0, $0x0;
	s6 =	sadd.s32 s7, s6  }
0xb: {  	[sflag:s8] =	ssyncpa.u1 $0x0;
	s8 =	simm.s32 $0x640000;
	s7 =	sadd.s32 $0x1, s6  }
.LBB1_4:
0xc: {  	s14 =	sshll.u32 s11, $0x3  }
0xd: {  	s30 =	sand.u32 $0x7F, s11;
	s15 =	sand.u32 $0xFFFFFC00, s14  }
0xe: {  	s11 =	sor.u32 s30, s15  }
0xf: {  	s15 =	smulhi.u32 $0x51EB851F, s11  }
0x10: {  	s14 =	smulhi.u32 $0x51EB851F, s14  }
0x11: {  	s15 =	sshrl.u32 s15, $0x12  }
0x12: {  	s14 =	sshrl.u32 s14, $0x12;
	s15 =	smul.u32 $0xC8000, s15  }
0x13: {  	s14 =	sand.u32 $0x3F, s14  }
0x14: {  	s14 =	smul.u32 $0x19000, s14;
	s11 =	ssub.s32 s11, s15  }
0x15: {  	[tilespmem:s13+$0x810 ss:$0x81] =	vst.msk $0xffff, v2;
	s15 =	sand.u32 $0x7, s11  }
0x16: {  	[tilespmem:s13+$0x1020 ss:$0x81] =	vst.msk $0xffff, v0;
	s14 =	sadd.s32 s2, s14;
	s11 =	sshrl.u32 s11, $0x3;
	s15 =	sshll.u32 s15, $0x12  }
0x17: {  	[tilespmem:s13+$0x0 ss:$0x81] =	vst.msk $0xffff, v1;
	s11 =	sadd.s32 s11, s14;
	s31 =	sor.u32 $0x400, s15  }
0x18: {  	[hbm4b:s11+s31] =	stream.strided.scatter [tilespmem:s12], [sflag:$0x2], $0x2000, s8, s31, $0x20;
	[tilespmem:$0x8080] =	vst v63  }
.LBB1_5:
0x19: {  	s13 =	sadd.s32 $0x1000, s9  }
0x1a: {  	p2 =	sgt.s32 s13, $0xC7FFF  }
0x1b: {  	s13 =	smov.u32 @p2 s3;
	p2 =	sne.s32 s10, s7  }
.Ltmp1:
0x1c: {  	p1 =	slt.u32 s10, $0x2;
	(pc) =	sbr.rel @!p2 .LBB1_6-.Ltmp1, $4  }
0x1d: {  	s12 =	simm.s32 @!p1 $0x2  }
0x1e: {  	s14 =	sadd.s32 $0x1, s10;
	_ =	swait.ge @!p1 [sflag:s12], $0x2000  }
0x1f: {  	s11 =	smov.u32 s9;
	p0 =	por !p0, !p0;
	[sflag:s12] =	ssyncset.done @!p1 $0x0  }
0x20: {  	s10 =	smov.u32 s14;
	s9 =	smov.u32 s13;
	[sflag:s12] =	ssyncadd.s32 @!p1 $0xFFFFE000  }
.LBB1_1:
0x21: {  	p1 =	sge.u32 s10, s6  }
0x22: {  	s12 =	sand.u32 @!p1 $0x1FFFFFF, s9  }
0x23: {  	s13 =	smulhi.u32 @!p1 $0x147AE15, s12;
	_ =	sdelay $0x1  }
0x24: {  	s13 =	sshrl.u32 @!p1 s13, $0xC  }
0x25: {  	s13 =	smul.u32 @!p1 $0xC8000, s13;
	_ =	sdelay $0x1  }
0x26: {  	s31 =	sadd.s32 $0xFFFFFFFF, s10;
	s14 =	sxor.u32 @!p1 $0xFFFFFFFF, s10;
	s12 =	ssub.s32 @!p1 s12, s13  }
0x27: {  	s15 =	simm.s32 @!p1 $0x80;
	s14 =	sshll.u32 @!p1 s14, $0xD;
	s12 =	sshll.u32 @!p1 s12, $0x4  }
0x28: {  	s13 =	sand.u32 @!p1 $0x2000, s14;
	s14 =	simm.s32 @!p1 $0x40;
	s12 =	sadd.s32 @!p1 s4, s12  }
0x29: {  	[tilespmem:s13], [sflag:$0x1] =	stream.strided.gather @!p1 [hbm4b:s12+s14], $0x2000, s15, s14, $0x38;
	[tilespmem:$0x8080] =	vst v63  }
0x2a: {  	p1 =	sge.u32 s31, s6  }
.Ltmp2:
0x2b: {  	_ = 	snop;
	(pc) =	sbr.rel @p1 .LBB1_5-.Ltmp2, $1  }
0x2c: {  	_ =	sdelay $0x3  }
0x2d: {  	s12 =	simm.s32 $0x1  }
0x2e: {  	_ =	swait.ge [sflag:s5], $0x2000;
	s12 =	simm.s32 @!p0 $0x0  }
0x2f: {  	[sflag:s5] =	ssyncset.done $0x0;
	s13 =	sshll.u32 s12, $0xD  }
0x30: {  	[sflag:s5] =	ssyncadd.s32 $0xFFFFE000;
	s16 =	sor.u32 $0x20, s13  }
0x31: {  	s12 =	smul.u32 $0x8100, s12;
	v3 =	vld [tilespmem:s16+$0x10]  }
0x32: {  	s30 =	sand.u32 $0x1, s10;
	v2 =	vld [tilespmem:s16+$0xFFFFFFF0]  }
0x33: {  	s13 =	smul.u32 $0x8100, s30;
	s12 =	sshrl.u32 s12, $0x2;
	v0 =	vld [tilespmem:s16+$0x0]  }
0x34: {  	v1 =	vld [tilespmem:s16+$0xFFFFFFE0];
	s14 =	sor.u32 $0x4000, s12  }
0x35: {  	s31 =	sshrl.u32 s13, $0x2;
	s13 =	sadd.s32 $0x0, s14  }
0x36: {  	s15 =	simm.s32 $0x4;
	s16 =	sadd.s32 $0x40, s16;
	s12 =	sor.u32 $0x4000, s31;
	[tilespmem:s13+$0x1830 ss:$0x81] =	vst.msk $0xffff, v3  }
.LBB1_3:
0x37: {  	v3 =	vld [tilespmem:s16+$0x10];
	p1 =	sne.s32 s15, $0x1FC;
	[tilespmem:s13+$0x810 ss:$0x81] =	vst.msk $0xffff, v2;
	s17 =	smov.u32 s15;
	s15 =	sadd.s32 $0x4, s15  }
.Ltmp3:
0x38: {  	v2 =	vld [tilespmem:s16+$0xFFFFFFF0];
	[tilespmem:s13+$0x1020 ss:$0x81] =	vst.msk $0xffff, v0;
	(pc) =	sbr.rel @p1 .LBB1_3-.Ltmp3, $4  }
0x39: {  	v0 =	vld [tilespmem:s16+$0x0];
	[tilespmem:s13+$0x0 ss:$0x81] =	vst.msk $0xffff, v1  }
0x3a: {  	s13 =	sshra.s32 s17, $0x2;
	v1 =	vld [tilespmem:s16+$0xFFFFFFE0]  }
0x3b: {  	s13 =	sadd.s32 s13, s14  }
0x3c: {  	s16 =	sadd.s32 $0x40, s16;
	[tilespmem:s13+$0x1830 ss:$0x81] =	vst.msk $0xffff, v3  }
.Ltmp4:
0x3d: {  	_ = 	snop;
	(pc) =	sbr.rel .LBB1_4-.Ltmp4, $1  }
0x3e: {  	_ =	sdelay $0x3  }
.LBB1_6:
0x3f: {  	_ =	sfence.sel $0x180000  }
0x40: {  	s2 =	simm.s32 $0x1;
	[bflag:$0x0] =	sbarrier.arrive $0xFFFF  }
0x41: {  	s31 =	simm.s32 $0x2;
	[sflag:s2] =	ssyncpa.u1 $0x1  }
0x42: {  	[sflag:s31] =	ssyncpa.u1 $0x1  }
0x43: {  	p0 =	sne.s32 s0, $0x0;
	_ =	strace $0x9000004A  }
0x44: {  	s0 =	sadd.s32 @!p0 $0x100000, s1;
	[bflag:$0x2] =	sbarrier.arrive $0xFFFF  }
0x45: {  	[sflag:s0] =	ssyncadd.tile.s32 @!p0 $0x1;
	_ =	shalt  }
.Lfunc_end1:
_tile_overlayer_lowered:
.L_overlay_start_2:
0x46: {  	(tag) =	ssettag $0x2  }
0x47: {  	s0 =	rddreg [dreg:$0x0];
	s2 =	stileid.u32  }
0x48: {  	s1 =	rddreg [dreg:$0x1];
	p0 =	sne.s32 s2, $0x0  }
0x49: {  	s3 =	rddreg [dreg:$0x2];
	[bflag:$0x3] =	sbarrier.arrive $0xFFFF;
	s2 =	simm.s32 @!p0 $0x1C01  }
0x4a: {  	[timem:s3], [sflag:s2] =	dma.local @!p0 [hbm:s0], s1  }
0x4b: {  	s0 =	simm.s32 @!p0 $0x1  }
0x4c: {  	_ =	swait.ge @!p0 [sflag:s0], s1  }
0x4d: {  	s1 =	ssub.s32 @!p0 $0x0, s1;
	[sflag:s0] =	ssyncset.done @!p0 $0x0  }
0x4e: {  	[sflag:s0] =	ssyncadd.s32 @!p0 s1  }
0x4f: {  	[bflag:$0x3] =	sbarrier.arrive $0xFFFF  }
0x50: {  	_ =	shalt  }

</sc_bundles>
